<compile_context>
chip_gen: v7x
topology: tpu7x:2x2x1
jax: 0.10.2.dev20260603
libtpu: 0.0.44.dev20260713+nightly
codegen_flags: <defaults>
</compile_context>

<pallas_src>
import functools

import jax
import jax.numpy as jnp
from jax import lax
from jax.experimental import pallas as pl
from jax.experimental.pallas import tpu as pltpu
from jax.experimental.pallas import tpu_sc as plsc

_TM = 512
_TN = 1024


def _vq_body(z_ref, z2_ref, e2_ref, emb_ref, idx_ref, loss_ref, util_ref,
             pres_ref, acc_ref):
    i = pl.program_id(0)
    n_tiles = pl.num_programs(0)
    num_codes = emb_ref.shape[0]
    n_chunks = num_codes // _TN

    @pl.when(i == 0)
    def _init():
        pres_ref[...] = jnp.zeros_like(pres_ref)
        acc_ref[0] = jnp.float32(0.0)

    z = z_ref[...]
    z2 = z2_ref[...]
    best = jnp.full((_TM, 1), jnp.inf, jnp.float32)
    bidx = jnp.zeros((_TM, 1), jnp.int32)
    for j in range(n_chunks):
        e = emb_ref[pl.ds(j * _TN, _TN), :]
        e2c = e2_ref[0:1, pl.ds(j * _TN, _TN)]
        m = lax.dot_general(z, e, (((1,), (1,)), ((), ())),
                            preferred_element_type=jnp.float32)
        dist = (z2 + e2c) - m
        lmin = jnp.min(dist, axis=1, keepdims=True)
        col = lax.broadcasted_iota(jnp.int32, (_TM, _TN), 1) + j * _TN
        lidx = jnp.min(jnp.where(dist == lmin, col, jnp.int32(2**30)),
                       axis=1, keepdims=True)
        take = lmin < best
        best = jnp.where(take, lmin, best)
        bidx = jnp.where(take, lidx, bidx)

    idx_ref[...] = bidx.reshape(1, 1, _TM)
    acc_ref[0] += jnp.sum(best)

    for j in range(n_chunks):
        col = lax.broadcasted_iota(jnp.int32, (_TM, _TN), 1) + j * _TN
        hit = jnp.max((bidx == col).astype(jnp.float32), axis=0, keepdims=True)
        pres_ref[j:j + 1, :] = jnp.maximum(pres_ref[j:j + 1, :], hit)

    @pl.when(i == n_tiles - 1)
    def _finish():
        n_tok = n_tiles * _TM
        d = z_ref.shape[1]
        loss = acc_ref[0] / jnp.float32(n_tok * d)
        loss_ref[...] = jnp.broadcast_to(loss, (1, 1))
        util = jnp.sum(pres_ref[...]) / jnp.float32(num_codes)
        util_ref[...] = jnp.broadcast_to(util, (1, 1))


def _vq_argmin(zb, z2, e2, embedding):
    n_tok, d = zb.shape
    num_codes = embedding.shape[0]
    n_tiles = n_tok // _TM
    return pl.pallas_call(
        _vq_body,
        grid=(n_tiles,),
        in_specs=[
            pl.BlockSpec((_TM, d), lambda i: (i, 0)),
            pl.BlockSpec((_TM, 1), lambda i: (i, 0)),
            pl.BlockSpec((1, num_codes), lambda i: (0, 0)),
            pl.BlockSpec((num_codes, d), lambda i: (0, 0)),
        ],
        out_specs=[
            pl.BlockSpec((1, 1, _TM), lambda i: (i, 0, 0)),
            pl.BlockSpec((1, 1), lambda i: (0, 0)),
            pl.BlockSpec((1, 1), lambda i: (0, 0)),
        ],
        out_shape=[
            jax.ShapeDtypeStruct((n_tiles, 1, _TM), jnp.int32),
            jax.ShapeDtypeStruct((1, 1), jnp.float32),
            jax.ShapeDtypeStruct((1, 1), jnp.float32),
        ],
        scratch_shapes=[
            pltpu.VMEM((num_codes // _TN, _TN), jnp.float32),
            pltpu.SMEM((1,), jnp.float32),
        ],
        compiler_params=pltpu.CompilerParams(
            dimension_semantics=("arbitrary",),
            vmem_limit_bytes=100 * 1024 * 1024,
        ),
    )(zb, z2, e2, embedding)


def _sc_gather(embedding, idx_flat):
    n_tok = idx_flat.shape[0]
    d = embedding.shape[1]
    info = plsc.get_sparse_core_info()
    nc, ns = info.num_cores, info.num_subcores
    nw = nc * ns
    b_per_w = n_tok // nw
    n_sub = b_per_w // 128
    idx2d = idx_flat.reshape(n_tok // 128, 128)
    mesh = plsc.VectorSubcoreMesh(core_axis_name="c", subcore_axis_name="s")

    @functools.partial(
        pl.kernel, mesh=mesh,
        out_type=jax.ShapeDtypeStruct((n_tok, d), jnp.float32),
        scratch_types=[
            pltpu.VMEM((n_sub, 128), jnp.int32),
            pltpu.VMEM((b_per_w, d), jnp.float32),
            pltpu.SemaphoreType.DMA,
        ],
    )
    def gather_k(table_hbm, idx_hbm, out_hbm, idx_v, rows_v, sem):
        wid = lax.axis_index("s") * nc + lax.axis_index("c")
        pltpu.sync_copy(idx_hbm.at[pl.ds(wid * n_sub, n_sub)], idx_v)
        copies = [
            pltpu.async_copy(table_hbm.at[idx_v.at[j]],
                             rows_v.at[pl.ds(j * 128, 128)], sem)
            for j in range(n_sub)
        ]
        for c in copies:
            c.wait()
        pltpu.sync_copy(rows_v, out_hbm.at[pl.ds(wid * b_per_w, b_per_w)])

    return gather_k(embedding, idx2d)


def kernel(z_e, embedding):
    b, d, t = z_e.shape
    z_flat = jnp.transpose(z_e, (0, 2, 1)).reshape(b * t, d)
    z2 = jnp.sum(z_flat ** 2, axis=1, keepdims=True)
    e2 = jnp.sum(embedding ** 2, axis=1)[None, :]
    zb = (z_flat * 2.0).astype(jnp.bfloat16)
    idx3, loss11, util11 = _vq_argmin(zb, z2, e2, embedding)
    idx_flat = idx3.reshape(b * t)
    zq_flat = _sc_gather(embedding, idx_flat)
    z_q = jnp.transpose(zq_flat.reshape(b, t, d), (0, 2, 1))
    indices = idx_flat.reshape(b, t)
    return z_q, indices, loss11[0, 0], util11[0, 0]

# --- scband reference (transcript-rebuilt; emitter-appended) ---
"""Pipeline reference for scband-vector-quantizer-ema-43679817401104 (READ-ONLY COPY).

The authoritative reference and input builder live on the scoring server;
editing this copy changes nothing except your own understanding.
"""

import jax, jax.numpy as jnp
import numpy as np

NUM_CODES = 8192
CODE_DIM = 256
COMMITMENT_WEIGHT = 1.0


def setup_inputs(seed: int = 0) -> dict:
    key = jax.random.key(seed)
    k1, k2 = jax.random.split(key)
    z_e = jax.random.normal(k1, (4, CODE_DIM, 2048), dtype=jnp.float32)
    embedding = jax.random.normal(k2, (NUM_CODES, CODE_DIM), dtype=jnp.float32)
    return {"z_e": z_e, "embedding": embedding}


def reference(z_e, embedding):
    # Eval-mode forward of VectorQuantizerEMA (no EMA buffer updates).
    B, D, T = z_e.shape
    # rearrange 'b d t -> (b t) d'
    z_flat = jnp.transpose(z_e, (0, 2, 1)).reshape(B * T, D)
    # find_nearest: squared L2 distance via expanded form + argmin
    dist = (
        jnp.sum(z_flat ** 2, axis=1, keepdims=True)
        + jnp.sum(embedding ** 2, axis=1)
        - 2.0 * z_flat @ embedding.T
    )
    indices_flat = jnp.argmin(dist, axis=-1)
    z_q_flat = jnp.take(embedding, indices_flat, axis=0)
    # commitment loss: mse(z_flat, stop_grad(z_q_flat))
    commitment_loss = COMMITMENT_WEIGHT * jnp.mean(
        (z_flat - jax.lax.stop_gradient(z_q_flat)) ** 2
    )
    # straight-through estimator
    z_q_flat = z_flat + jax.lax.stop_gradient(z_q_flat - z_flat)
    # rearrange '(b t) d -> b d t'
    z_q = jnp.transpose(z_q_flat.reshape(B, T, D), (0, 2, 1))
    indices = indices_flat.reshape(B, T)
    # codebook utilization via bincount (jit-friendly unique-count)
    counts = jnp.bincount(indices_flat, length=NUM_CODES)
    utilization = jnp.sum(counts > 0).astype(jnp.float32) / NUM_CODES
    return (z_q, indices, commitment_loss, utilization)

if __name__ == "__main__":
    import jax
    _d = setup_inputs()
    print(jax.jit(kernel)(*tuple(_d.values())))

</pallas_src>

<mosaic_0001>
#map = affine_map<(d0, d1) -> (0, 0)>
module attributes {stable_mosaic.version = 14 : i64} {
  func.func @gather_k(%arg0: i32, %arg1: i32, %arg2: memref<8192x256xf32, #tpu.memory_space<hbm>>, %arg3: memref<64x128xi32, #tpu.memory_space<hbm>>, %arg4: memref<8192x256xf32, #tpu.memory_space<hbm>>, %arg5: memref<2x128xi32, #tpu.memory_space<vmem>>, %arg6: memref<256x256xf32, #tpu.memory_space<vmem>>, %arg7: memref<!tpu.dma_semaphore, #tpu.memory_space<semaphore_mem>>) attributes {dimension_semantics = [#tpu.dimension_semantics<core_parallel>, #tpu.dimension_semantics<subcore_parallel>], iteration_bounds = array<i64: 2, 16>, scalar_prefetch = 0 : i64, scratch_operands = 3 : i64, tpu.core_type = #tpu.core_type<sc_vector_subcore>, window_params = [{transform_indices = #map}, {transform_indices = #map}, {transform_indices = #map}]} {
    %mul3A = arith.constant 2 : i32
    %mul3A_0 = arith.muli %arg1, %mul3A : i32
    %add3A = arith.addi %mul3A_0, %arg0 : i32
    %mul3A_1 = arith.constant 2 : i32
    %mul3A_2 = arith.muli %add3A, %mul3A_1 : i32
    "tpu.region"() ({
      %run_scoped3A = tpu.sem_alloc : memref<!tpu.dma_semaphore, #tpu.memory_space<semaphore_mem>>
      %dma_start3A_43 = arith.constant 0 : i32
      %dma_start3A_44 = tpu.memref_slice %arg3[%mul3A_2, %dma_start3A_43] : memref<64x128xi32, #tpu.memory_space<hbm>> -> memref<2x128xi32, #tpu.memory_space<hbm>>
      %dma_start3A_45 = arith.constant 0 : i32
      %dma_start3A_46 = tpu.memref_slice %arg3[%mul3A_2, %dma_start3A_45] : memref<64x128xi32, #tpu.memory_space<hbm>> -> memref<2x128xi32, #tpu.memory_space<hbm>>
      tpu.enqueue_dma source(%dma_start3A_46 : memref<2x128xi32, #tpu.memory_space<hbm>>) target(%arg5 : memref<2x128xi32, #tpu.memory_space<vmem>>) target_semaphore(%run_scoped3A : memref<!tpu.dma_semaphore, #tpu.memory_space<semaphore_mem>>)
      %dma_wait3A_47 = arith.constant 0 : i32
      %dma_wait3A_48 = tpu.memref_slice %arg3[%mul3A_2, %dma_wait3A_47] : memref<64x128xi32, #tpu.memory_space<hbm>> -> memref<2x128xi32, #tpu.memory_space<hbm>>
      %dma_wait3A_49 = arith.constant 0 : i32
      %dma_wait3A_50 = tpu.memref_slice %arg3[%mul3A_2, %dma_wait3A_49] : memref<64x128xi32, #tpu.memory_space<hbm>> -> memref<2x128xi32, #tpu.memory_space<hbm>>
      tpu.wait_dma2 semaphore(%run_scoped3A : memref<!tpu.dma_semaphore, #tpu.memory_space<semaphore_mem>>) src(%dma_wait3A_50 : memref<2x128xi32, #tpu.memory_space<hbm>>) dst(%arg5 : memref<2x128xi32, #tpu.memory_space<vmem>>)
      tpu.yield
    }) : () -> ()
    %dma_start3A = arith.constant 0 : i32
    %dma_start3A_3 = arith.constant 0 : i32
    %dma_start3A_4 = arith.constant 0 : i32
    %dma_start3A_5 = tpu.memref_slice %arg6[%dma_start3A_3, %dma_start3A_4] : memref<256x256xf32, #tpu.memory_space<vmem>> -> memref<128x256xf32, #tpu.memory_space<vmem>>
    %dma_start3A_6 = arith.constant 0 : i32
    %dma_start3A_7 = tpu.memref_slice %arg5[%dma_start3A, %dma_start3A_6] : memref<2x128xi32, #tpu.memory_space<vmem>> -> memref<1x128xi32, #tpu.memory_space<vmem>>
    %dma_start3A_8 = tpu.memref_squeeze %dma_start3A_7 : memref<1x128xi32, #tpu.memory_space<vmem>> -> memref<128xi32, #tpu.memory_space<vmem>>
    %dma_start3A_9 = arith.constant 0 : i32
    %dma_start3A_10 = arith.constant 0 : i32
    %dma_start3A_11 = tpu.memref_slice %arg2[%dma_start3A_9, %dma_start3A_10] : memref<8192x256xf32, #tpu.memory_space<hbm>> -> memref<8192x256xf32, #tpu.memory_space<hbm>>
    tpu.enqueue_indirect_dma source(%dma_start3A_11 : memref<8192x256xf32, #tpu.memory_space<hbm>>) target(%dma_start3A_5 : memref<128x256xf32, #tpu.memory_space<vmem>>) offsets(%dma_start3A_8 : memref<128xi32, #tpu.memory_space<vmem>>) semaphore(%arg7 : memref<!tpu.dma_semaphore, #tpu.memory_space<semaphore_mem>>)
    %dma_start3A_12 = arith.constant 1 : i32
    %dma_start3A_13 = arith.constant 128 : i32
    %dma_start3A_14 = arith.constant 0 : i32
    %dma_start3A_15 = tpu.memref_slice %arg6[%dma_start3A_13, %dma_start3A_14] : memref<256x256xf32, #tpu.memory_space<vmem>> -> memref<128x256xf32, #tpu.memory_space<vmem>>
    %dma_start3A_16 = arith.constant 0 : i32
    %dma_start3A_17 = tpu.memref_slice %arg5[%dma_start3A_12, %dma_start3A_16] : memref<2x128xi32, #tpu.memory_space<vmem>> -> memref<1x128xi32, #tpu.memory_space<vmem>>
    %dma_start3A_18 = tpu.memref_squeeze %dma_start3A_17 : memref<1x128xi32, #tpu.memory_space<vmem>> -> memref<128xi32, #tpu.memory_space<vmem>>
    %dma_start3A_19 = arith.constant 0 : i32
    %dma_start3A_20 = arith.constant 0 : i32
    %dma_start3A_21 = tpu.memref_slice %arg2[%dma_start3A_19, %dma_start3A_20] : memref<8192x256xf32, #tpu.memory_space<hbm>> -> memref<8192x256xf32, #tpu.memory_space<hbm>>
    tpu.enqueue_indirect_dma source(%dma_start3A_21 : memref<8192x256xf32, #tpu.memory_space<hbm>>) target(%dma_start3A_15 : memref<128x256xf32, #tpu.memory_space<vmem>>) offsets(%dma_start3A_18 : memref<128xi32, #tpu.memory_space<vmem>>) semaphore(%arg7 : memref<!tpu.dma_semaphore, #tpu.memory_space<semaphore_mem>>)
    %dma_wait3A = arith.constant 0 : i32
    %dma_wait3A_22 = arith.constant 0 : i32
    %dma_wait3A_23 = arith.constant 0 : i32
    %dma_wait3A_24 = tpu.memref_slice %arg6[%dma_wait3A_22, %dma_wait3A_23] : memref<256x256xf32, #tpu.memory_space<vmem>> -> memref<128x256xf32, #tpu.memory_space<vmem>>
    %dma_wait3A_25 = arith.constant 0 : i32
    %dma_wait3A_26 = tpu.memref_slice %arg5[%dma_wait3A, %dma_wait3A_25] : memref<2x128xi32, #tpu.memory_space<vmem>> -> memref<1x128xi32, #tpu.memory_space<vmem>>
    %dma_wait3A_27 = tpu.memref_squeeze %dma_wait3A_26 : memref<1x128xi32, #tpu.memory_space<vmem>> -> memref<128xi32, #tpu.memory_space<vmem>>
    %dma_wait3A_28 = arith.constant 0 : i32
    %dma_wait3A_29 = arith.constant 0 : i32
    %dma_wait3A_30 = tpu.memref_slice %arg2[%dma_wait3A_28, %dma_wait3A_29] : memref<8192x256xf32, #tpu.memory_space<hbm>> -> memref<8192x256xf32, #tpu.memory_space<hbm>>
    tpu.wait_indirect_dma semaphore(%arg7 : memref<!tpu.dma_semaphore, #tpu.memory_space<semaphore_mem>>) src(%dma_wait3A_30 : memref<8192x256xf32, #tpu.memory_space<hbm>>) dst(%dma_wait3A_24 : memref<128x256xf32, #tpu.memory_space<vmem>>)
    %dma_wait3A_31 = arith.constant 1 : i32
    %dma_wait3A_32 = arith.constant 128 : i32
    %dma_wait3A_33 = arith.constant 0 : i32
    %dma_wait3A_34 = tpu.memref_slice %arg6[%dma_wait3A_32, %dma_wait3A_33] : memref<256x256xf32, #tpu.memory_space<vmem>> -> memref<128x256xf32, #tpu.memory_space<vmem>>
    %dma_wait3A_35 = arith.constant 0 : i32
    %dma_wait3A_36 = tpu.memref_slice %arg5[%dma_wait3A_31, %dma_wait3A_35] : memref<2x128xi32, #tpu.memory_space<vmem>> -> memref<1x128xi32, #tpu.memory_space<vmem>>
    %dma_wait3A_37 = tpu.memref_squeeze %dma_wait3A_36 : memref<1x128xi32, #tpu.memory_space<vmem>> -> memref<128xi32, #tpu.memory_space<vmem>>
    %dma_wait3A_38 = arith.constant 0 : i32
    %dma_wait3A_39 = arith.constant 0 : i32
    %dma_wait3A_40 = tpu.memref_slice %arg2[%dma_wait3A_38, %dma_wait3A_39] : memref<8192x256xf32, #tpu.memory_space<hbm>> -> memref<8192x256xf32, #tpu.memory_space<hbm>>
    tpu.wait_indirect_dma semaphore(%arg7 : memref<!tpu.dma_semaphore, #tpu.memory_space<semaphore_mem>>) src(%dma_wait3A_40 : memref<8192x256xf32, #tpu.memory_space<hbm>>) dst(%dma_wait3A_34 : memref<128x256xf32, #tpu.memory_space<vmem>>)
    %mul3A_41 = arith.constant 256 : i32
    %mul3A_42 = arith.muli %add3A, %mul3A_41 : i32
    "tpu.region"() ({
      %run_scoped3A = tpu.sem_alloc : memref<!tpu.dma_semaphore, #tpu.memory_space<semaphore_mem>>
      %dma_start3A_43 = arith.constant 0 : i32
      %dma_start3A_44 = tpu.memref_slice %arg4[%mul3A_42, %dma_start3A_43] : memref<8192x256xf32, #tpu.memory_space<hbm>> -> memref<256x256xf32, #tpu.memory_space<hbm>>
      %dma_start3A_45 = arith.constant 0 : i32
      %dma_start3A_46 = tpu.memref_slice %arg4[%mul3A_42, %dma_start3A_45] : memref<8192x256xf32, #tpu.memory_space<hbm>> -> memref<256x256xf32, #tpu.memory_space<hbm>>
      tpu.enqueue_dma source(%arg6 : memref<256x256xf32, #tpu.memory_space<vmem>>) target(%dma_start3A_46 : memref<256x256xf32, #tpu.memory_space<hbm>>) target_semaphore(%run_scoped3A : memref<!tpu.dma_semaphore, #tpu.memory_space<semaphore_mem>>)
      %dma_wait3A_47 = arith.constant 0 : i32
      %dma_wait3A_48 = tpu.memref_slice %arg4[%mul3A_42, %dma_wait3A_47] : memref<8192x256xf32, #tpu.memory_space<hbm>> -> memref<256x256xf32, #tpu.memory_space<hbm>>
      %dma_wait3A_49 = arith.constant 0 : i32
      %dma_wait3A_50 = tpu.memref_slice %arg4[%mul3A_42, %dma_wait3A_49] : memref<8192x256xf32, #tpu.memory_space<hbm>> -> memref<256x256xf32, #tpu.memory_space<hbm>>
      tpu.wait_dma2 semaphore(%run_scoped3A : memref<!tpu.dma_semaphore, #tpu.memory_space<semaphore_mem>>) src(%arg6 : memref<256x256xf32, #tpu.memory_space<vmem>>) dst(%dma_wait3A_50 : memref<256x256xf32, #tpu.memory_space<hbm>>)
      tpu.yield
    }) : () -> ()
    return
  }
}

module attributes {stable_mosaic.version = 14 : i64} {
  func.func @_vq_body(%arg0: i32, %arg1: memref<512x256xbf16, #tpu.memory_space<vmem>>, %arg2: memref<512x1xf32, #tpu.memory_space<vmem>>, %arg3: memref<1x8192xf32, #tpu.memory_space<vmem>>, %arg4: memref<8192x256xf32, #tpu.memory_space<vmem>>, %arg5: memref<1x1x512xi32, #tpu.memory_space<vmem>>, %arg6: memref<1x1xf32, #tpu.memory_space<vmem>>, %arg7: memref<1x1xf32, #tpu.memory_space<vmem>>, %arg8: memref<8x1024xf32, #tpu.memory_space<vmem>>, %arg9: memref<1xf32, #tpu.memory_space<smem>>) attributes {dimension_semantics = [#tpu.dimension_semantics<arbitrary>], iteration_bounds = array<i64: 16>, scalar_prefetch = 0 : i64, scratch_operands = 2 : i64, tpu.core_type = #tpu.core_type<tc>, window_params = [{transform_indices = @transform_0, window_bounds = array<i64: 512, 256>}, {transform_indices = @transform_1, window_bounds = array<i64: 512, 1>}, {pipeline_mode = #tpu.pipeline_mode<synchronous>, transform_indices = @transform_2, window_bounds = array<i64: 1, 8192>}, {pipeline_mode = #tpu.pipeline_mode<synchronous>, transform_indices = @transform_3, window_bounds = array<i64: 8192, 256>}, {transform_indices = @transform_4, window_bounds = array<i64: 1, 1, 512>}, {pipeline_mode = #tpu.pipeline_mode<synchronous>, transform_indices = @transform_5, window_bounds = array<i64: 1, 1>}, {pipeline_mode = #tpu.pipeline_mode<synchronous>, transform_indices = @transform_6, window_bounds = array<i64: 1, 1>}]} {
    %eq3A = arith.constant 0 : i32
    %eq3A_0 = arith.cmpi eq, %arg0, %eq3A : i32
    %convert_element_type3A = arith.extui %eq3A_0 : i1 to i32
    %cond3A = arith.constant 0 : i32
    %cond3A_1 = arith.cmpi ne, %convert_element_type3A, %cond3A : i32
    scf.if %cond3A_1 {
      %broadcast_in_dim3A_401 = arith.constant 0.000000e+00 : f32
      %broadcast_in_dim3A_402 = vector.broadcast %broadcast_in_dim3A_401 : f32 to vector<8x1024xf32>
      %swap3A_403 = arith.constant 0 : index
      %swap3A_404 = arith.constant 0 : index
      %swap3A_405 = vector.load %arg8[%swap3A_403, %swap3A_404] : memref<8x1024xf32, #tpu.memory_space<vmem>>, vector<8x1024xf32>
      tpu.vector_store %arg8[%swap3A_403, %swap3A_404], %broadcast_in_dim3A_402 {strides = array<i32>} : memref<8x1024xf32, #tpu.memory_space<vmem>>, vector<8x1024xf32>,
      %swap3A_406 = arith.constant 0.000000e+00 : f32
      %swap3A_407 = arith.constant 0 : index
      %swap3A_408 = memref.load %arg9[%swap3A_407] : memref<1xf32, #tpu.memory_space<smem>>
      memref.store %swap3A_406, %arg9[%swap3A_407] : memref<1xf32, #tpu.memory_space<smem>>
    } else {
    }
    %get3A = arith.constant 0 : index
    %get3A_2 = arith.constant 0 : index
    %get3A_3 = vector.load %arg1[%get3A, %get3A_2] : memref<512x256xbf16, #tpu.memory_space<vmem>>, vector<512x256xbf16>
    %get3A_4 = arith.constant 0 : index
    %get3A_5 = arith.constant 0 : index
    %get3A_6 = vector.load %arg2[%get3A_4, %get3A_5] : memref<512x1xf32, #tpu.memory_space<vmem>>, vector<512x1xf32>
    %broadcast_in_dim3A = arith.constant 0x7F800000 : f32
    %broadcast_in_dim3A_7 = vector.broadcast %broadcast_in_dim3A : f32 to vector<512x1xf32>
    %broadcast_in_dim3A_8 = arith.constant 0 : i32
    %broadcast_in_dim3A_9 = vector.broadcast %broadcast_in_dim3A_8 : i32 to vector<512x1xi32>
    %get3A_10 = arith.constant 0 : index
    %get3A_11 = arith.constant 0 : index
    %get3A_12 = vector.load %arg4[%get3A_10, %get3A_11] : memref<8192x256xf32, #tpu.memory_space<vmem>>, vector<1024x256xf32>
    %get3A_13 = arith.constant 0 : index
    %get3A_14 = arith.constant 0 : index
    %get3A_15 = vector.load %arg3[%get3A_13, %get3A_14] : memref<1x8192xf32, #tpu.memory_space<vmem>>, vector<1x1024xf32>
    %dot_general3A = arith.constant dense<0.000000e+00> : vector<512x1024xf32>
    %dot_general3A_16 = tpu.matmul %get3A_3, %get3A_12, %dot_general3A {dimension_numbers = #tpu.dot_dimension_numbers<[1], [1], [0], [0], [0, 0, 1, 0], [], []>, transpose_lhs_hint = false} : vector<512x256xbf16>, vector<1024x256xf32>, vector<512x1024xf32> -> vector<512x1024xf32>
    %add3A = vector.broadcast %get3A_6 : vector<512x1xf32> to vector<512x1024xf32>
    %add3A_17 = vector.broadcast %get3A_15 : vector<1x1024xf32> to vector<512x1024xf32>
    %add3A_18 = arith.addf %add3A, %add3A_17 : vector<512x1024xf32>
    %sub3A = arith.subf %add3A_18, %dot_general3A_16 : vector<512x1024xf32>
    %reduce_min3A = arith.constant dense<0x7F800000> : vector<512xf32>
    %reduce_min3A_19 = vector.multi_reduction <minimumf>, %sub3A, %reduce_min3A [1] : vector<512x1024xf32> to vector<512xf32>
    %broadcast_in_dim3A_20 = vector.shape_cast %reduce_min3A_19 : vector<512xf32> to vector<512x1xf32>
    %iota3A = tpu.iota {dimensions = array<i32: 1>} : vector<512x1024xi32>
    %add3A_21 = arith.constant 0 : i32
    %add3A_22 = vector.broadcast %add3A_21 : i32 to vector<512x1024xi32>
    %add3A_23 = arith.addi %iota3A, %add3A_22 : vector<512x1024xi32>
    %eq3A_24 = vector.broadcast %broadcast_in_dim3A_20 : vector<512x1xf32> to vector<512x1024xf32>
    %eq3A_25 = arith.cmpf oeq, %sub3A, %eq3A_24 : vector<512x1024xf32>
    %jit3A = arith.constant 1073741824 : i32
    %broadcast_in_dim3A_26 = vector.broadcast %jit3A : i32 to vector<512x1024xi32>
    %select_n3A = arith.select %eq3A_25, %add3A_23, %broadcast_in_dim3A_26 : vector<512x1024xi1>, vector<512x1024xi32>
    %reduce_min3A_27 = arith.constant dense<2147483647> : vector<512xi32>
    %reduce_min3A_28 = vector.multi_reduction <minsi>, %select_n3A, %reduce_min3A_27 [1] : vector<512x1024xi32> to vector<512xi32>
    %broadcast_in_dim3A_29 = vector.shape_cast %reduce_min3A_28 : vector<512xi32> to vector<512x1xi32>
    %lt3A = arith.cmpf olt, %broadcast_in_dim3A_20, %broadcast_in_dim3A_7 : vector<512x1xf32>
    %select_n3A_30 = arith.select %lt3A, %broadcast_in_dim3A_20, %broadcast_in_dim3A_7 : vector<512x1xi1>, vector<512x1xf32>
    %select_n3A_31 = arith.select %lt3A, %broadcast_in_dim3A_29, %broadcast_in_dim3A_9 : vector<512x1xi1>, vector<512x1xi32>
    %get3A_32 = arith.constant 1024 : index
    %get3A_33 = arith.constant 0 : index
    %get3A_34 = vector.load %arg4[%get3A_32, %get3A_33] : memref<8192x256xf32, #tpu.memory_space<vmem>>, vector<1024x256xf32>
    %get3A_35 = arith.constant 0 : index
    %get3A_36 = arith.constant 1024 : index
    %get3A_37 = vector.load %arg3[%get3A_35, %get3A_36] : memref<1x8192xf32, #tpu.memory_space<vmem>>, vector<1x1024xf32>
    %dot_general3A_38 = arith.constant dense<0.000000e+00> : vector<512x1024xf32>
    %dot_general3A_39 = tpu.matmul %get3A_3, %get3A_34, %dot_general3A_38 {dimension_numbers = #tpu.dot_dimension_numbers<[1], [1], [0], [0], [0, 0, 1, 0], [], []>, transpose_lhs_hint = false} : vector<512x256xbf16>, vector<1024x256xf32>, vector<512x1024xf32> -> vector<512x1024xf32>
    %add3A_40 = vector.broadcast %get3A_6 : vector<512x1xf32> to vector<512x1024xf32>
    %add3A_41 = vector.broadcast %get3A_37 : vector<1x1024xf32> to vector<512x1024xf32>
    %add3A_42 = arith.addf %add3A_40, %add3A_41 : vector<512x1024xf32>
    %sub3A_43 = arith.subf %add3A_42, %dot_general3A_39 : vector<512x1024xf32>
    %reduce_min3A_44 = arith.constant dense<0x7F800000> : vector<512xf32>
    %reduce_min3A_45 = vector.multi_reduction <minimumf>, %sub3A_43, %reduce_min3A_44 [1] : vector<512x1024xf32> to vector<512xf32>
    %broadcast_in_dim3A_46 = vector.shape_cast %reduce_min3A_45 : vector<512xf32> to vector<512x1xf32>
    %iota3A_47 = tpu.iota {dimensions = array<i32: 1>} : vector<512x1024xi32>
    %add3A_48 = arith.constant 1024 : i32
    %add3A_49 = vector.broadcast %add3A_48 : i32 to vector<512x1024xi32>
    %add3A_50 = arith.addi %iota3A_47, %add3A_49 : vector<512x1024xi32>
    %eq3A_51 = vector.broadcast %broadcast_in_dim3A_46 : vector<512x1xf32> to vector<512x1024xf32>
    %eq3A_52 = arith.cmpf oeq, %sub3A_43, %eq3A_51 : vector<512x1024xf32>
    %jit3A_53 = arith.constant 1073741824 : i32
    %broadcast_in_dim3A_54 = vector.broadcast %jit3A_53 : i32 to vector<512x1024xi32>
    %select_n3A_55 = arith.select %eq3A_52, %add3A_50, %broadcast_in_dim3A_54 : vector<512x1024xi1>, vector<512x1024xi32>
    %reduce_min3A_56 = arith.constant dense<2147483647> : vector<512xi32>
    %reduce_min3A_57 = vector.multi_reduction <minsi>, %select_n3A_55, %reduce_min3A_56 [1] : vector<512x1024xi32> to vector<512xi32>
    %broadcast_in_dim3A_58 = vector.shape_cast %reduce_min3A_57 : vector<512xi32> to vector<512x1xi32>
    %lt3A_59 = arith.cmpf olt, %broadcast_in_dim3A_46, %select_n3A_30 : vector<512x1xf32>
    %select_n3A_60 = arith.select %lt3A_59, %broadcast_in_dim3A_46, %select_n3A_30 : vector<512x1xi1>, vector<512x1xf32>
    %select_n3A_61 = arith.select %lt3A_59, %broadcast_in_dim3A_58, %select_n3A_31 : vector<512x1xi1>, vector<512x1xi32>
    %get3A_62 = arith.constant 2048 : index
    %get3A_63 = arith.constant 0 : index
    %get3A_64 = vector.load %arg4[%get3A_62, %get3A_63] : memref<8192x256xf32, #tpu.memory_space<vmem>>, vector<1024x256xf32>
    %get3A_65 = arith.constant 0 : index
    %get3A_66 = arith.constant 2048 : index
    %get3A_67 = vector.load %arg3[%get3A_65, %get3A_66] : memref<1x8192xf32, #tpu.memory_space<vmem>>, vector<1x1024xf32>
    %dot_general3A_68 = arith.constant dense<0.000000e+00> : vector<512x1024xf32>
    %dot_general3A_69 = tpu.matmul %get3A_3, %get3A_64, %dot_general3A_68 {dimension_numbers = #tpu.dot_dimension_numbers<[1], [1], [0], [0], [0, 0, 1, 0], [], []>, transpose_lhs_hint = false} : vector<512x256xbf16>, vector<1024x256xf32>, vector<512x1024xf32> -> vector<512x1024xf32>
    %add3A_70 = vector.broadcast %get3A_6 : vector<512x1xf32> to vector<512x1024xf32>
    %add3A_71 = vector.broadcast %get3A_67 : vector<1x1024xf32> to vector<512x1024xf32>
    %add3A_72 = arith.addf %add3A_70, %add3A_71 : vector<512x1024xf32>
    %sub3A_73 = arith.subf %add3A_72, %dot_general3A_69 : vector<512x1024xf32>
    %reduce_min3A_74 = arith.constant dense<0x7F800000> : vector<512xf32>
    %reduce_min3A_75 = vector.multi_reduction <minimumf>, %sub3A_73, %reduce_min3A_74 [1] : vector<512x1024xf32> to vector<512xf32>
    %broadcast_in_dim3A_76 = vector.shape_cast %reduce_min3A_75 : vector<512xf32> to vector<512x1xf32>
    %iota3A_77 = tpu.iota {dimensions = array<i32: 1>} : vector<512x1024xi32>
    %add3A_78 = arith.constant 2048 : i32
    %add3A_79 = vector.broadcast %add3A_78 : i32 to vector<512x1024xi32>
    %add3A_80 = arith.addi %iota3A_77, %add3A_79 : vector<512x1024xi32>
    %eq3A_81 = vector.broadcast %broadcast_in_dim3A_76 : vector<512x1xf32> to vector<512x1024xf32>
    %eq3A_82 = arith.cmpf oeq, %sub3A_73, %eq3A_81 : vector<512x1024xf32>
    %jit3A_83 = arith.constant 1073741824 : i32
    %broadcast_in_dim3A_84 = vector.broadcast %jit3A_83 : i32 to vector<512x1024xi32>
    %select_n3A_85 = arith.select %eq3A_82, %add3A_80, %broadcast_in_dim3A_84 : vector<512x1024xi1>, vector<512x1024xi32>
    %reduce_min3A_86 = arith.constant dense<2147483647> : vector<512xi32>
    %reduce_min3A_87 = vector.multi_reduction <minsi>, %select_n3A_85, %reduce_min3A_86 [1] : vector<512x1024xi32> to vector<512xi32>
    %broadcast_in_dim3A_88 = vector.shape_cast %reduce_min3A_87 : vector<512xi32> to vector<512x1xi32>
    %lt3A_89 = arith.cmpf olt, %broadcast_in_dim3A_76, %select_n3A_60 : vector<512x1xf32>
    %select_n3A_90 = arith.select %lt3A_89, %broadcast_in_dim3A_76, %select_n3A_60 : vector<512x1xi1>, vector<512x1xf32>
    %select_n3A_91 = arith.select %lt3A_89, %broadcast_in_dim3A_88, %select_n3A_61 : vector<512x1xi1>, vector<512x1xi32>
    %get3A_92 = arith.constant 3072 : index
    %get3A_93 = arith.constant 0 : index
    %get3A_94 = vector.load %arg4[%get3A_92, %get3A_93] : memref<8192x256xf32, #tpu.memory_space<vmem>>, vector<1024x256xf32>
    %get3A_95 = arith.constant 0 : index
    %get3A_96 = arith.constant 3072 : index
    %get3A_97 = vector.load %arg3[%get3A_95, %get3A_96] : memref<1x8192xf32, #tpu.memory_space<vmem>>, vector<1x1024xf32>
    %dot_general3A_98 = arith.constant dense<0.000000e+00> : vector<512x1024xf32>
    %dot_general3A_99 = tpu.matmul %get3A_3, %get3A_94, %dot_general3A_98 {dimension_numbers = #tpu.dot_dimension_numbers<[1], [1], [0], [0], [0, 0, 1, 0], [], []>, transpose_lhs_hint = false} : vector<512x256xbf16>, vector<1024x256xf32>, vector<512x1024xf32> -> vector<512x1024xf32>
    %add3A_100 = vector.broadcast %get3A_6 : vector<512x1xf32> to vector<512x1024xf32>
    %add3A_101 = vector.broadcast %get3A_97 : vector<1x1024xf32> to vector<512x1024xf32>
    %add3A_102 = arith.addf %add3A_100, %add3A_101 : vector<512x1024xf32>
    %sub3A_103 = arith.subf %add3A_102, %dot_general3A_99 : vector<512x1024xf32>
    %reduce_min3A_104 = arith.constant dense<0x7F800000> : vector<512xf32>
    %reduce_min3A_105 = vector.multi_reduction <minimumf>, %sub3A_103, %reduce_min3A_104 [1] : vector<512x1024xf32> to vector<512xf32>
    %broadcast_in_dim3A_106 = vector.shape_cast %reduce_min3A_105 : vector<512xf32> to vector<512x1xf32>
    %iota3A_107 = tpu.iota {dimensions = array<i32: 1>} : vector<512x1024xi32>
    %add3A_108 = arith.constant 3072 : i32
    %add3A_109 = vector.broadcast %add3A_108 : i32 to vector<512x1024xi32>
    %add3A_110 = arith.addi %iota3A_107, %add3A_109 : vector<512x1024xi32>
    %eq3A_111 = vector.broadcast %broadcast_in_dim3A_106 : vector<512x1xf32> to vector<512x1024xf32>
    %eq3A_112 = arith.cmpf oeq, %sub3A_103, %eq3A_111 : vector<512x1024xf32>
    %jit3A_113 = arith.constant 1073741824 : i32
    %broadcast_in_dim3A_114 = vector.broadcast %jit3A_113 : i32 to vector<512x1024xi32>
    %select_n3A_115 = arith.select %eq3A_112, %add3A_110, %broadcast_in_dim3A_114 : vector<512x1024xi1>, vector<512x1024xi32>
    %reduce_min3A_116 = arith.constant dense<2147483647> : vector<512xi32>
    %reduce_min3A_117 = vector.multi_reduction <minsi>, %select_n3A_115, %reduce_min3A_116 [1] : vector<512x1024xi32> to vector<512xi32>
    %broadcast_in_dim3A_118 = vector.shape_cast %reduce_min3A_117 : vector<512xi32> to vector<512x1xi32>
    %lt3A_119 = arith.cmpf olt, %broadcast_in_dim3A_106, %select_n3A_90 : vector<512x1xf32>
    %select_n3A_120 = arith.select %lt3A_119, %broadcast_in_dim3A_106, %select_n3A_90 : vector<512x1xi1>, vector<512x1xf32>
    %select_n3A_121 = arith.select %lt3A_119, %broadcast_in_dim3A_118, %select_n3A_91 : vector<512x1xi1>, vector<512x1xi32>
    %get3A_122 = arith.constant 4096 : index
    %get3A_123 = arith.constant 0 : index
    %get3A_124 = vector.load %arg4[%get3A_122, %get3A_123] : memref<8192x256xf32, #tpu.memory_space<vmem>>, vector<1024x256xf32>
    %get3A_125 = arith.constant 0 : index
    %get3A_126 = arith.constant 4096 : index
    %get3A_127 = vector.load %arg3[%get3A_125, %get3A_126] : memref<1x8192xf32, #tpu.memory_space<vmem>>, vector<1x1024xf32>
    %dot_general3A_128 = arith.constant dense<0.000000e+00> : vector<512x1024xf32>
    %dot_general3A_129 = tpu.matmul %get3A_3, %get3A_124, %dot_general3A_128 {dimension_numbers = #tpu.dot_dimension_numbers<[1], [1], [0], [0], [0, 0, 1, 0], [], []>, transpose_lhs_hint = false} : vector<512x256xbf16>, vector<1024x256xf32>, vector<512x1024xf32> -> vector<512x1024xf32>
    %add3A_130 = vector.broadcast %get3A_6 : vector<512x1xf32> to vector<512x1024xf32>
    %add3A_131 = vector.broadcast %get3A_127 : vector<1x1024xf32> to vector<512x1024xf32>
    %add3A_132 = arith.addf %add3A_130, %add3A_131 : vector<512x1024xf32>
    %sub3A_133 = arith.subf %add3A_132, %dot_general3A_129 : vector<512x1024xf32>
    %reduce_min3A_134 = arith.constant dense<0x7F800000> : vector<512xf32>
    %reduce_min3A_135 = vector.multi_reduction <minimumf>, %sub3A_133, %reduce_min3A_134 [1] : vector<512x1024xf32> to vector<512xf32>
    %broadcast_in_dim3A_136 = vector.shape_cast %reduce_min3A_135 : vector<512xf32> to vector<512x1xf32>
    %iota3A_137 = tpu.iota {dimensions = array<i32: 1>} : vector<512x1024xi32>
    %add3A_138 = arith.constant 4096 : i32
    %add3A_139 = vector.broadcast %add3A_138 : i32 to vector<512x1024xi32>
    %add3A_140 = arith.addi %iota3A_137, %add3A_139 : vector<512x1024xi32>
    %eq3A_141 = vector.broadcast %broadcast_in_dim3A_136 : vector<512x1xf32> to vector<512x1024xf32>
    %eq3A_142 = arith.cmpf oeq, %sub3A_133, %eq3A_141 : vector<512x1024xf32>
    %jit3A_143 = arith.constant 1073741824 : i32
    %broadcast_in_dim3A_144 = vector.broadcast %jit3A_143 : i32 to vector<512x1024xi32>
    %select_n3A_145 = arith.select %eq3A_142, %add3A_140, %broadcast_in_dim3A_144 : vector<512x1024xi1>, vector<512x1024xi32>
    %reduce_min3A_146 = arith.constant dense<2147483647> : vector<512xi32>
    %reduce_min3A_147 = vector.multi_reduction <minsi>, %select_n3A_145, %reduce_min3A_146 [1] : vector<512x1024xi32> to vector<512xi32>
    %broadcast_in_dim3A_148 = vector.shape_cast %reduce_min3A_147 : vector<512xi32> to vector<512x1xi32>
    %lt3A_149 = arith.cmpf olt, %broadcast_in_dim3A_136, %select_n3A_120 : vector<512x1xf32>
    %select_n3A_150 = arith.select %lt3A_149, %broadcast_in_dim3A_136, %select_n3A_120 : vector<512x1xi1>, vector<512x1xf32>
    %select_n3A_151 = arith.select %lt3A_149, %broadcast_in_dim3A_148, %select_n3A_121 : vector<512x1xi1>, vector<512x1xi32>
    %get3A_152 = arith.constant 5120 : index
    %get3A_153 = arith.constant 0 : index
    %get3A_154 = vector.load %arg4[%get3A_152, %get3A_153] : memref<8192x256xf32, #tpu.memory_space<vmem>>, vector<1024x256xf32>
    %get3A_155 = arith.constant 0 : index
    %get3A_156 = arith.constant 5120 : index
    %get3A_157 = vector.load %arg3[%get3A_155, %get3A_156] : memref<1x8192xf32, #tpu.memory_space<vmem>>, vector<1x1024xf32>
    %dot_general3A_158 = arith.constant dense<0.000000e+00> : vector<512x1024xf32>
    %dot_general3A_159 = tpu.matmul %get3A_3, %get3A_154, %dot_general3A_158 {dimension_numbers = #tpu.dot_dimension_numbers<[1], [1], [0], [0], [0, 0, 1, 0], [], []>, transpose_lhs_hint = false} : vector<512x256xbf16>, vector<1024x256xf32>, vector<512x1024xf32> -> vector<512x1024xf32>
    %add3A_160 = vector.broadcast %get3A_6 : vector<512x1xf32> to vector<512x1024xf32>
    %add3A_161 = vector.broadcast %get3A_157 : vector<1x1024xf32> to vector<512x1024xf32>
    %add3A_162 = arith.addf %add3A_160, %add3A_161 : vector<512x1024xf32>
    %sub3A_163 = arith.subf %add3A_162, %dot_general3A_159 : vector<512x1024xf32>
    %reduce_min3A_164 = arith.constant dense<0x7F800000> : vector<512xf32>
    %reduce_min3A_165 = vector.multi_reduction <minimumf>, %sub3A_163, %reduce_min3A_164 [1] : vector<512x1024xf32> to vector<512xf32>
    %broadcast_in_dim3A_166 = vector.shape_cast %reduce_min3A_165 : vector<512xf32> to vector<512x1xf32>
    %iota3A_167 = tpu.iota {dimensions = array<i32: 1>} : vector<512x1024xi32>
    %add3A_168 = arith.constant 5120 : i32
    %add3A_169 = vector.broadcast %add3A_168 : i32 to vector<512x1024xi32>
    %add3A_170 = arith.addi %iota3A_167, %add3A_169 : vector<512x1024xi32>
    %eq3A_171 = vector.broadcast %broadcast_in_dim3A_166 : vector<512x1xf32> to vector<512x1024xf32>
    %eq3A_172 = arith.cmpf oeq, %sub3A_163, %eq3A_171 : vector<512x1024xf32>
    %jit3A_173 = arith.constant 1073741824 : i32
    %broadcast_in_dim3A_174 = vector.broadcast %jit3A_173 : i32 to vector<512x1024xi32>
    %select_n3A_175 = arith.select %eq3A_172, %add3A_170, %broadcast_in_dim3A_174 : vector<512x1024xi1>, vector<512x1024xi32>
    %reduce_min3A_176 = arith.constant dense<2147483647> : vector<512xi32>
    %reduce_min3A_177 = vector.multi_reduction <minsi>, %select_n3A_175, %reduce_min3A_176 [1] : vector<512x1024xi32> to vector<512xi32>
    %broadcast_in_dim3A_178 = vector.shape_cast %reduce_min3A_177 : vector<512xi32> to vector<512x1xi32>
    %lt3A_179 = arith.cmpf olt, %broadcast_in_dim3A_166, %select_n3A_150 : vector<512x1xf32>
    %select_n3A_180 = arith.select %lt3A_179, %broadcast_in_dim3A_166, %select_n3A_150 : vector<512x1xi1>, vector<512x1xf32>
    %select_n3A_181 = arith.select %lt3A_179, %broadcast_in_dim3A_178, %select_n3A_151 : vector<512x1xi1>, vector<512x1xi32>
    %get3A_182 = arith.constant 6144 : index
    %get3A_183 = arith.constant 0 : index
    %get3A_184 = vector.load %arg4[%get3A_182, %get3A_183] : memref<8192x256xf32, #tpu.memory_space<vmem>>, vector<1024x256xf32>
    %get3A_185 = arith.constant 0 : index
    %get3A_186 = arith.constant 6144 : index
    %get3A_187 = vector.load %arg3[%get3A_185, %get3A_186] : memref<1x8192xf32, #tpu.memory_space<vmem>>, vector<1x1024xf32>
    %dot_general3A_188 = arith.constant dense<0.000000e+00> : vector<512x1024xf32>
    %dot_general3A_189 = tpu.matmul %get3A_3, %get3A_184, %dot_general3A_188 {dimension_numbers = #tpu.dot_dimension_numbers<[1], [1], [0], [0], [0, 0, 1, 0], [], []>, transpose_lhs_hint = false} : vector<512x256xbf16>, vector<1024x256xf32>, vector<512x1024xf32> -> vector<512x1024xf32>
    %add3A_190 = vector.broadcast %get3A_6 : vector<512x1xf32> to vector<512x1024xf32>
    %add3A_191 = vector.broadcast %get3A_187 : vector<1x1024xf32> to vector<512x1024xf32>
    %add3A_192 = arith.addf %add3A_190, %add3A_191 : vector<512x1024xf32>
    %sub3A_193 = arith.subf %add3A_192, %dot_general3A_189 : vector<512x1024xf32>
    %reduce_min3A_194 = arith.constant dense<0x7F800000> : vector<512xf32>
    %reduce_min3A_195 = vector.multi_reduction <minimumf>, %sub3A_193, %reduce_min3A_194 [1] : vector<512x1024xf32> to vector<512xf32>
    %broadcast_in_dim3A_196 = vector.shape_cast %reduce_min3A_195 : vector<512xf32> to vector<512x1xf32>
    %iota3A_197 = tpu.iota {dimensions = array<i32: 1>} : vector<512x1024xi32>
    %add3A_198 = arith.constant 6144 : i32
    %add3A_199 = vector.broadcast %add3A_198 : i32 to vector<512x1024xi32>
    %add3A_200 = arith.addi %iota3A_197, %add3A_199 : vector<512x1024xi32>
    %eq3A_201 = vector.broadcast %broadcast_in_dim3A_196 : vector<512x1xf32> to vector<512x1024xf32>
    %eq3A_202 = arith.cmpf oeq, %sub3A_193, %eq3A_201 : vector<512x1024xf32>
    %jit3A_203 = arith.constant 1073741824 : i32
    %broadcast_in_dim3A_204 = vector.broadcast %jit3A_203 : i32 to vector<512x1024xi32>
    %select_n3A_205 = arith.select %eq3A_202, %add3A_200, %broadcast_in_dim3A_204 : vector<512x1024xi1>, vector<512x1024xi32>
    %reduce_min3A_206 = arith.constant dense<2147483647> : vector<512xi32>
    %reduce_min3A_207 = vector.multi_reduction <minsi>, %select_n3A_205, %reduce_min3A_206 [1] : vector<512x1024xi32> to vector<512xi32>
    %broadcast_in_dim3A_208 = vector.shape_cast %reduce_min3A_207 : vector<512xi32> to vector<512x1xi32>
    %lt3A_209 = arith.cmpf olt, %broadcast_in_dim3A_196, %select_n3A_180 : vector<512x1xf32>
    %select_n3A_210 = arith.select %lt3A_209, %broadcast_in_dim3A_196, %select_n3A_180 : vector<512x1xi1>, vector<512x1xf32>
    %select_n3A_211 = arith.select %lt3A_209, %broadcast_in_dim3A_208, %select_n3A_181 : vector<512x1xi1>, vector<512x1xi32>
    %get3A_212 = arith.constant 7168 : index
    %get3A_213 = arith.constant 0 : index
    %get3A_214 = vector.load %arg4[%get3A_212, %get3A_213] : memref<8192x256xf32, #tpu.memory_space<vmem>>, vector<1024x256xf32>
    %get3A_215 = arith.constant 0 : index
    %get3A_216 = arith.constant 7168 : index
    %get3A_217 = vector.load %arg3[%get3A_215, %get3A_216] : memref<1x8192xf32, #tpu.memory_space<vmem>>, vector<1x1024xf32>
    %dot_general3A_218 = arith.constant dense<0.000000e+00> : vector<512x1024xf32>
    %dot_general3A_219 = tpu.matmul %get3A_3, %get3A_214, %dot_general3A_218 {dimension_numbers = #tpu.dot_dimension_numbers<[1], [1], [0], [0], [0, 0, 1, 0], [], []>, transpose_lhs_hint = false} : vector<512x256xbf16>, vector<1024x256xf32>, vector<512x1024xf32> -> vector<512x1024xf32>
    %add3A_220 = vector.broadcast %get3A_6 : vector<512x1xf32> to vector<512x1024xf32>
    %add3A_221 = vector.broadcast %get3A_217 : vector<1x1024xf32> to vector<512x1024xf32>
    %add3A_222 = arith.addf %add3A_220, %add3A_221 : vector<512x1024xf32>
    %sub3A_223 = arith.subf %add3A_222, %dot_general3A_219 : vector<512x1024xf32>
    %reduce_min3A_224 = arith.constant dense<0x7F800000> : vector<512xf32>
    %reduce_min3A_225 = vector.multi_reduction <minimumf>, %sub3A_223, %reduce_min3A_224 [1] : vector<512x1024xf32> to vector<512xf32>
    %broadcast_in_dim3A_226 = vector.shape_cast %reduce_min3A_225 : vector<512xf32> to vector<512x1xf32>
    %iota3A_227 = tpu.iota {dimensions = array<i32: 1>} : vector<512x1024xi32>
    %add3A_228 = arith.constant 7168 : i32
    %add3A_229 = vector.broadcast %add3A_228 : i32 to vector<512x1024xi32>
    %add3A_230 = arith.addi %iota3A_227, %add3A_229 : vector<512x1024xi32>
    %eq3A_231 = vector.broadcast %broadcast_in_dim3A_226 : vector<512x1xf32> to vector<512x1024xf32>
    %eq3A_232 = arith.cmpf oeq, %sub3A_223, %eq3A_231 : vector<512x1024xf32>
    %jit3A_233 = arith.constant 1073741824 : i32
    %broadcast_in_dim3A_234 = vector.broadcast %jit3A_233 : i32 to vector<512x1024xi32>
    %select_n3A_235 = arith.select %eq3A_232, %add3A_230, %broadcast_in_dim3A_234 : vector<512x1024xi1>, vector<512x1024xi32>
    %reduce_min3A_236 = arith.constant dense<2147483647> : vector<512xi32>
    %reduce_min3A_237 = vector.multi_reduction <minsi>, %select_n3A_235, %reduce_min3A_236 [1] : vector<512x1024xi32> to vector<512xi32>
    %broadcast_in_dim3A_238 = vector.shape_cast %reduce_min3A_237 : vector<512xi32> to vector<512x1xi32>
    %lt3A_239 = arith.cmpf olt, %broadcast_in_dim3A_226, %select_n3A_210 : vector<512x1xf32>
    %select_n3A_240 = arith.select %lt3A_239, %broadcast_in_dim3A_226, %select_n3A_210 : vector<512x1xi1>, vector<512x1xf32>
    %select_n3A_241 = arith.select %lt3A_239, %broadcast_in_dim3A_238, %select_n3A_211 : vector<512x1xi1>, vector<512x1xi32>
    %reshape3A = vector.shape_cast %select_n3A_241 : vector<512x1xi32> to vector<1x1x512xi32>
    %swap3A = arith.constant 0 : index
    %swap3A_242 = arith.constant 0 : index
    %swap3A_243 = arith.constant 0 : index
    %swap3A_244 = vector.load %arg5[%swap3A, %swap3A_242, %swap3A_243] : memref<1x1x512xi32, #tpu.memory_space<vmem>>, vector<1x1x512xi32>
    tpu.vector_store %arg5[%swap3A, %swap3A_242, %swap3A_243], %reshape3A {strides = array<i32>} : memref<1x1x512xi32, #tpu.memory_space<vmem>>, vector<1x1x512xi32>,
    %get3A_245 = arith.constant 0 : index
    %get3A_246 = memref.load %arg9[%get3A_245] : memref<1xf32, #tpu.memory_space<smem>>
    %reduce_sum3A = vector.shape_cast %select_n3A_240 : vector<512x1xf32> to vector<1x512x1xf32>
    %reduce_sum3A_247 = arith.constant dense<0.000000e+00> : vector<1xf32>
    %reduce_sum3A_248 = vector.multi_reduction <add>, %reduce_sum3A, %reduce_sum3A_247 [1, 2] : vector<1x512x1xf32> to vector<1xf32>
    %reduce_sum3A_249 = vector.shape_cast %reduce_sum3A_248 : vector<1xf32> to vector<1x1x1xf32>
    %reduce_sum3A_250 = vector.extract %reduce_sum3A_249[0, 0, 0] : f32 from vector<1x1x1xf32>
    %add3A_251 = arith.addf %get3A_246, %reduce_sum3A_250 : f32
    %swap3A_252 = arith.constant 0 : index
    %swap3A_253 = memref.load %arg9[%swap3A_252] : memref<1xf32, #tpu.memory_space<smem>>
    memref.store %add3A_251, %arg9[%swap3A_252] : memref<1xf32, #tpu.memory_space<smem>>
    %iota3A_254 = tpu.iota {dimensions = array<i32: 1>} : vector<512x1024xi32>
    %add3A_255 = arith.constant 0 : i32
    %add3A_256 = vector.broadcast %add3A_255 : i32 to vector<512x1024xi32>
    %add3A_257 = arith.addi %iota3A_254, %add3A_256 : vector<512x1024xi32>
    %eq3A_258 = vector.broadcast %select_n3A_241 : vector<512x1xi32> to vector<512x1024xi32>
    %eq3A_259 = arith.cmpi eq, %eq3A_258, %add3A_257 : vector<512x1024xi32>
    %convert_element_type3A_260 = arith.extui %eq3A_259 : vector<512x1024xi1> to vector<512x1024xi32>
    %convert_element_type3A_261 = arith.sitofp %convert_element_type3A_260 : vector<512x1024xi32> to vector<512x1024xf32>
    %reduce_max3A = arith.constant dense<0xFF800000> : vector<1024xf32>
    %reduce_max3A_262 = vector.multi_reduction <maximumf>, %convert_element_type3A_261, %reduce_max3A [0] : vector<512x1024xf32> to vector<1024xf32>
    %broadcast_in_dim3A_263 = vector.shape_cast %reduce_max3A_262 : vector<1024xf32> to vector<1x1024xf32>
    %get3A_264 = arith.constant 0 : index
    %get3A_265 = arith.constant 0 : index
    %get3A_266 = vector.load %arg8[%get3A_264, %get3A_265] : memref<8x1024xf32, #tpu.memory_space<vmem>>, vector<1x1024xf32>
    %max3A = arith.maximumf %get3A_266, %broadcast_in_dim3A_263 : vector<1x1024xf32>
    %swap3A_267 = arith.constant 0 : index
    %swap3A_268 = arith.constant 0 : index
    %swap3A_269 = vector.load %arg8[%swap3A_267, %swap3A_268] : memref<8x1024xf32, #tpu.memory_space<vmem>>, vector<1x1024xf32>
    tpu.vector_store %arg8[%swap3A_267, %swap3A_268], %max3A {strides = array<i32>} : memref<8x1024xf32, #tpu.memory_space<vmem>>, vector<1x1024xf32>,
    %iota3A_270 = tpu.iota {dimensions = array<i32: 1>} : vector<512x1024xi32>
    %add3A_271 = arith.constant 1024 : i32
    %add3A_272 = vector.broadcast %add3A_271 : i32 to vector<512x1024xi32>
    %add3A_273 = arith.addi %iota3A_270, %add3A_272 : vector<512x1024xi32>
    %eq3A_274 = vector.broadcast %select_n3A_241 : vector<512x1xi32> to vector<512x1024xi32>
    %eq3A_275 = arith.cmpi eq, %eq3A_274, %add3A_273 : vector<512x1024xi32>
    %convert_element_type3A_276 = arith.extui %eq3A_275 : vector<512x1024xi1> to vector<512x1024xi32>
    %convert_element_type3A_277 = arith.sitofp %convert_element_type3A_276 : vector<512x1024xi32> to vector<512x1024xf32>
    %reduce_max3A_278 = arith.constant dense<0xFF800000> : vector<1024xf32>
    %reduce_max3A_279 = vector.multi_reduction <maximumf>, %convert_element_type3A_277, %reduce_max3A_278 [0] : vector<512x1024xf32> to vector<1024xf32>
    %broadcast_in_dim3A_280 = vector.shape_cast %reduce_max3A_279 : vector<1024xf32> to vector<1x1024xf32>
    %get3A_281 = arith.constant 1 : index
    %get3A_282 = arith.constant 0 : index
    %get3A_283 = vector.load %arg8[%get3A_281, %get3A_282] : memref<8x1024xf32, #tpu.memory_space<vmem>>, vector<1x1024xf32>
    %max3A_284 = arith.maximumf %get3A_283, %broadcast_in_dim3A_280 : vector<1x1024xf32>
    %swap3A_285 = arith.constant 1 : index
    %swap3A_286 = arith.constant 0 : index
    %swap3A_287 = vector.load %arg8[%swap3A_285, %swap3A_286] : memref<8x1024xf32, #tpu.memory_space<vmem>>, vector<1x1024xf32>
    tpu.vector_store %arg8[%swap3A_285, %swap3A_286], %max3A_284 {strides = array<i32>} : memref<8x1024xf32, #tpu.memory_space<vmem>>, vector<1x1024xf32>,
    %iota3A_288 = tpu.iota {dimensions = array<i32: 1>} : vector<512x1024xi32>
    %add3A_289 = arith.constant 2048 : i32
    %add3A_290 = vector.broadcast %add3A_289 : i32 to vector<512x1024xi32>
    %add3A_291 = arith.addi %iota3A_288, %add3A_290 : vector<512x1024xi32>
    %eq3A_292 = vector.broadcast %select_n3A_241 : vector<512x1xi32> to vector<512x1024xi32>
    %eq3A_293 = arith.cmpi eq, %eq3A_292, %add3A_291 : vector<512x1024xi32>
    %convert_element_type3A_294 = arith.extui %eq3A_293 : vector<512x1024xi1> to vector<512x1024xi32>
    %convert_element_type3A_295 = arith.sitofp %convert_element_type3A_294 : vector<512x1024xi32> to vector<512x1024xf32>
    %reduce_max3A_296 = arith.constant dense<0xFF800000> : vector<1024xf32>
    %reduce_max3A_297 = vector.multi_reduction <maximumf>, %convert_element_type3A_295, %reduce_max3A_296 [0] : vector<512x1024xf32> to vector<1024xf32>
    %broadcast_in_dim3A_298 = vector.shape_cast %reduce_max3A_297 : vector<1024xf32> to vector<1x1024xf32>
    %get3A_299 = arith.constant 2 : index
    %get3A_300 = arith.constant 0 : index
    %get3A_301 = vector.load %arg8[%get3A_299, %get3A_300] : memref<8x1024xf32, #tpu.memory_space<vmem>>, vector<1x1024xf32>
    %max3A_302 = arith.maximumf %get3A_301, %broadcast_in_dim3A_298 : vector<1x1024xf32>
    %swap3A_303 = arith.constant 2 : index
    %swap3A_304 = arith.constant 0 : index
    %swap3A_305 = vector.load %arg8[%swap3A_303, %swap3A_304] : memref<8x1024xf32, #tpu.memory_space<vmem>>, vector<1x1024xf32>
    tpu.vector_store %arg8[%swap3A_303, %swap3A_304], %max3A_302 {strides = array<i32>} : memref<8x1024xf32, #tpu.memory_space<vmem>>, vector<1x1024xf32>,
    %iota3A_306 = tpu.iota {dimensions = array<i32: 1>} : vector<512x1024xi32>
    %add3A_307 = arith.constant 3072 : i32
    %add3A_308 = vector.broadcast %add3A_307 : i32 to vector<512x1024xi32>
    %add3A_309 = arith.addi %iota3A_306, %add3A_308 : vector<512x1024xi32>
    %eq3A_310 = vector.broadcast %select_n3A_241 : vector<512x1xi32> to vector<512x1024xi32>
    %eq3A_311 = arith.cmpi eq, %eq3A_310, %add3A_309 : vector<512x1024xi32>
    %convert_element_type3A_312 = arith.extui %eq3A_311 : vector<512x1024xi1> to vector<512x1024xi32>
    %convert_element_type3A_313 = arith.sitofp %convert_element_type3A_312 : vector<512x1024xi32> to vector<512x1024xf32>
    %reduce_max3A_314 = arith.constant dense<0xFF800000> : vector<1024xf32>
    %reduce_max3A_315 = vector.multi_reduction <maximumf>, %convert_element_type3A_313, %reduce_max3A_314 [0] : vector<512x1024xf32> to vector<1024xf32>
    %broadcast_in_dim3A_316 = vector.shape_cast %reduce_max3A_315 : vector<1024xf32> to vector<1x1024xf32>
    %get3A_317 = arith.constant 3 : index
    %get3A_318 = arith.constant 0 : index
    %get3A_319 = vector.load %arg8[%get3A_317, %get3A_318] : memref<8x1024xf32, #tpu.memory_space<vmem>>, vector<1x1024xf32>
    %max3A_320 = arith.maximumf %get3A_319, %broadcast_in_dim3A_316 : vector<1x1024xf32>
    %swap3A_321 = arith.constant 3 : index
    %swap3A_322 = arith.constant 0 : index
    %swap3A_323 = vector.load %arg8[%swap3A_321, %swap3A_322] : memref<8x1024xf32, #tpu.memory_space<vmem>>, vector<1x1024xf32>
    tpu.vector_store %arg8[%swap3A_321, %swap3A_322], %max3A_320 {strides = array<i32>} : memref<8x1024xf32, #tpu.memory_space<vmem>>, vector<1x1024xf32>,
    %iota3A_324 = tpu.iota {dimensions = array<i32: 1>} : vector<512x1024xi32>
    %add3A_325 = arith.constant 4096 : i32
    %add3A_326 = vector.broadcast %add3A_325 : i32 to vector<512x1024xi32>
    %add3A_327 = arith.addi %iota3A_324, %add3A_326 : vector<512x1024xi32>
    %eq3A_328 = vector.broadcast %select_n3A_241 : vector<512x1xi32> to vector<512x1024xi32>
    %eq3A_329 = arith.cmpi eq, %eq3A_328, %add3A_327 : vector<512x1024xi32>
    %convert_element_type3A_330 = arith.extui %eq3A_329 : vector<512x1024xi1> to vector<512x1024xi32>
    %convert_element_type3A_331 = arith.sitofp %convert_element_type3A_330 : vector<512x1024xi32> to vector<512x1024xf32>
    %reduce_max3A_332 = arith.constant dense<0xFF800000> : vector<1024xf32>
    %reduce_max3A_333 = vector.multi_reduction <maximumf>, %convert_element_type3A_331, %reduce_max3A_332 [0] : vector<512x1024xf32> to vector<1024xf32>
    %broadcast_in_dim3A_334 = vector.shape_cast %reduce_max3A_333 : vector<1024xf32> to vector<1x1024xf32>
    %get3A_335 = arith.constant 4 : index
    %get3A_336 = arith.constant 0 : index
    %get3A_337 = vector.load %arg8[%get3A_335, %get3A_336] : memref<8x1024xf32, #tpu.memory_space<vmem>>, vector<1x1024xf32>
    %max3A_338 = arith.maximumf %get3A_337, %broadcast_in_dim3A_334 : vector<1x1024xf32>
    %swap3A_339 = arith.constant 4 : index
    %swap3A_340 = arith.constant 0 : index
    %swap3A_341 = vector.load %arg8[%swap3A_339, %swap3A_340] : memref<8x1024xf32, #tpu.memory_space<vmem>>, vector<1x1024xf32>
    tpu.vector_store %arg8[%swap3A_339, %swap3A_340], %max3A_338 {strides = array<i32>} : memref<8x1024xf32, #tpu.memory_space<vmem>>, vector<1x1024xf32>,
    %iota3A_342 = tpu.iota {dimensions = array<i32: 1>} : vector<512x1024xi32>
    %add3A_343 = arith.constant 5120 : i32
    %add3A_344 = vector.broadcast %add3A_343 : i32 to vector<512x1024xi32>
    %add3A_345 = arith.addi %iota3A_342, %add3A_344 : vector<512x1024xi32>
    %eq3A_346 = vector.broadcast %select_n3A_241 : vector<512x1xi32> to vector<512x1024xi32>
    %eq3A_347 = arith.cmpi eq, %eq3A_346, %add3A_345 : vector<512x1024xi32>
    %convert_element_type3A_348 = arith.extui %eq3A_347 : vector<512x1024xi1> to vector<512x1024xi32>
    %convert_element_type3A_349 = arith.sitofp %convert_element_type3A_348 : vector<512x1024xi32> to vector<512x1024xf32>
    %reduce_max3A_350 = arith.constant dense<0xFF800000> : vector<1024xf32>
    %reduce_max3A_351 = vector.multi_reduction <maximumf>, %convert_element_type3A_349, %reduce_max3A_350 [0] : vector<512x1024xf32> to vector<1024xf32>
    %broadcast_in_dim3A_352 = vector.shape_cast %reduce_max3A_351 : vector<1024xf32> to vector<1x1024xf32>
    %get3A_353 = arith.constant 5 : index
    %get3A_354 = arith.constant 0 : index
    %get3A_355 = vector.load %arg8[%get3A_353, %get3A_354] : memref<8x1024xf32, #tpu.memory_space<vmem>>, vector<1x1024xf32>
    %max3A_356 = arith.maximumf %get3A_355, %broadcast_in_dim3A_352 : vector<1x1024xf32>
    %swap3A_357 = arith.constant 5 : index
    %swap3A_358 = arith.constant 0 : index
    %swap3A_359 = vector.load %arg8[%swap3A_357, %swap3A_358] : memref<8x1024xf32, #tpu.memory_space<vmem>>, vector<1x1024xf32>
    tpu.vector_store %arg8[%swap3A_357, %swap3A_358], %max3A_356 {strides = array<i32>} : memref<8x1024xf32, #tpu.memory_space<vmem>>, vector<1x1024xf32>,
    %iota3A_360 = tpu.iota {dimensions = array<i32: 1>} : vector<512x1024xi32>
    %add3A_361 = arith.constant 6144 : i32
    %add3A_362 = vector.broadcast %add3A_361 : i32 to vector<512x1024xi32>
    %add3A_363 = arith.addi %iota3A_360, %add3A_362 : vector<512x1024xi32>
    %eq3A_364 = vector.broadcast %select_n3A_241 : vector<512x1xi32> to vector<512x1024xi32>
    %eq3A_365 = arith.cmpi eq, %eq3A_364, %add3A_363 : vector<512x1024xi32>
    %convert_element_type3A_366 = arith.extui %eq3A_365 : vector<512x1024xi1> to vector<512x1024xi32>
    %convert_element_type3A_367 = arith.sitofp %convert_element_type3A_366 : vector<512x1024xi32> to vector<512x1024xf32>
    %reduce_max3A_368 = arith.constant dense<0xFF800000> : vector<1024xf32>
    %reduce_max3A_369 = vector.multi_reduction <maximumf>, %convert_element_type3A_367, %reduce_max3A_368 [0] : vector<512x1024xf32> to vector<1024xf32>
    %broadcast_in_dim3A_370 = vector.shape_cast %reduce_max3A_369 : vector<1024xf32> to vector<1x1024xf32>
    %get3A_371 = arith.constant 6 : index
    %get3A_372 = arith.constant 0 : index
    %get3A_373 = vector.load %arg8[%get3A_371, %get3A_372] : memref<8x1024xf32, #tpu.memory_space<vmem>>, vector<1x1024xf32>
    %max3A_374 = arith.maximumf %get3A_373, %broadcast_in_dim3A_370 : vector<1x1024xf32>
    %swap3A_375 = arith.constant 6 : index
    %swap3A_376 = arith.constant 0 : index
    %swap3A_377 = vector.load %arg8[%swap3A_375, %swap3A_376] : memref<8x1024xf32, #tpu.memory_space<vmem>>, vector<1x1024xf32>
    tpu.vector_store %arg8[%swap3A_375, %swap3A_376], %max3A_374 {strides = array<i32>} : memref<8x1024xf32, #tpu.memory_space<vmem>>, vector<1x1024xf32>,
    %iota3A_378 = tpu.iota {dimensions = array<i32: 1>} : vector<512x1024xi32>
    %add3A_379 = arith.constant 7168 : i32
    %add3A_380 = vector.broadcast %add3A_379 : i32 to vector<512x1024xi32>
    %add3A_381 = arith.addi %iota3A_378, %add3A_380 : vector<512x1024xi32>
    %eq3A_382 = vector.broadcast %select_n3A_241 : vector<512x1xi32> to vector<512x1024xi32>
    %eq3A_383 = arith.cmpi eq, %eq3A_382, %add3A_381 : vector<512x1024xi32>
    %convert_element_type3A_384 = arith.extui %eq3A_383 : vector<512x1024xi1> to vector<512x1024xi32>
    %convert_element_type3A_385 = arith.sitofp %convert_element_type3A_384 : vector<512x1024xi32> to vector<512x1024xf32>
    %reduce_max3A_386 = arith.constant dense<0xFF800000> : vector<1024xf32>
    %reduce_max3A_387 = vector.multi_reduction <maximumf>, %convert_element_type3A_385, %reduce_max3A_386 [0] : vector<512x1024xf32> to vector<1024xf32>
    %broadcast_in_dim3A_388 = vector.shape_cast %reduce_max3A_387 : vector<1024xf32> to vector<1x1024xf32>
    %get3A_389 = arith.constant 7 : index
    %get3A_390 = arith.constant 0 : index
    %get3A_391 = vector.load %arg8[%get3A_389, %get3A_390] : memref<8x1024xf32, #tpu.memory_space<vmem>>, vector<1x1024xf32>
    %max3A_392 = arith.maximumf %get3A_391, %broadcast_in_dim3A_388 : vector<1x1024xf32>
    %swap3A_393 = arith.constant 7 : index
    %swap3A_394 = arith.constant 0 : index
    %swap3A_395 = vector.load %arg8[%swap3A_393, %swap3A_394] : memref<8x1024xf32, #tpu.memory_space<vmem>>, vector<1x1024xf32>
    tpu.vector_store %arg8[%swap3A_393, %swap3A_394], %max3A_392 {strides = array<i32>} : memref<8x1024xf32, #tpu.memory_space<vmem>>, vector<1x1024xf32>,
    %eq3A_396 = arith.constant 15 : i32
    %eq3A_397 = arith.cmpi eq, %arg0, %eq3A_396 : i32
    %convert_element_type3A_398 = arith.extui %eq3A_397 : i1 to i32
    %cond3A_399 = arith.constant 0 : i32
    %cond3A_400 = arith.cmpi ne, %convert_element_type3A_398, %cond3A_399 : i32
    scf.if %cond3A_400 {
      %get3A_401 = arith.constant 0 : index
      %get3A_402 = memref.load %arg9[%get3A_401] : memref<1xf32, #tpu.memory_space<smem>>
      %div3A = arith.constant 0x4A000000 : f32
      %div3A_403 = arith.divf %get3A_402, %div3A : f32
      %broadcast_in_dim3A_404 = vector.broadcast %div3A_403 : f32 to vector<1x1xf32>
      %swap3A_405 = arith.constant 0 : index
      %swap3A_406 = arith.constant 0 : index
      %swap3A_407 = vector.load %arg6[%swap3A_405, %swap3A_406] : memref<1x1xf32, #tpu.memory_space<vmem>>, vector<1x1xf32>
      tpu.vector_store %arg6[%swap3A_405, %swap3A_406], %broadcast_in_dim3A_404 {strides = array<i32>} : memref<1x1xf32, #tpu.memory_space<vmem>>, vector<1x1xf32>,
      %get3A_408 = arith.constant 0 : index
      %get3A_409 = arith.constant 0 : index
      %get3A_410 = vector.load %arg8[%get3A_408, %get3A_409] : memref<8x1024xf32, #tpu.memory_space<vmem>>, vector<8x1024xf32>
      %reduce_sum3A_411 = vector.shape_cast %get3A_410 : vector<8x1024xf32> to vector<1x8x1024xf32>
      %reduce_sum3A_412 = arith.constant dense<0.000000e+00> : vector<1xf32>
      %reduce_sum3A_413 = vector.multi_reduction <add>, %reduce_sum3A_411, %reduce_sum3A_412 [1, 2] : vector<1x8x1024xf32> to vector<1xf32>
      %reduce_sum3A_414 = vector.shape_cast %reduce_sum3A_413 : vector<1xf32> to vector<1x1x1xf32>
      %reduce_sum3A_415 = vector.extract %reduce_sum3A_414[0, 0, 0] : f32 from vector<1x1x1xf32>
      %div3A_416 = arith.constant 8.192000e+03 : f32
      %div3A_417 = arith.divf %reduce_sum3A_415, %div3A_416 : f32
      %broadcast_in_dim3A_418 = vector.broadcast %div3A_417 : f32 to vector<1x1xf32>
      %swap3A_419 = arith.constant 0 : index
      %swap3A_420 = arith.constant 0 : index
      %swap3A_421 = vector.load %arg7[%swap3A_419, %swap3A_420] : memref<1x1xf32, #tpu.memory_space<vmem>>, vector<1x1xf32>
      tpu.vector_store %arg7[%swap3A_419, %swap3A_420], %broadcast_in_dim3A_418 {strides = array<i32>} : memref<1x1xf32, #tpu.memory_space<vmem>>, vector<1x1xf32>,
    } else {
    }
    return
  }
  func.func @transform_0(%arg0: i32) -> (i32, i32) {
    %c0_i32 = arith.constant 0 : i32
    %c0_i32_0 = arith.constant 0 : i32
    return %arg0, %c0_i32 : i32, i32
  }
  func.func @transform_1(%arg0: i32) -> (i32, i32) {
    %c0_i32 = arith.constant 0 : i32
    %c0_i32_0 = arith.constant 0 : i32
    return %arg0, %c0_i32 : i32, i32
  }
  func.func @transform_2(%arg0: i32) -> (i32, i32) {
    %c0_i32 = arith.constant 0 : i32
    %c0_i32_0 = arith.constant 0 : i32
    %c0_i32_1 = arith.constant 0 : i32
    return %c0_i32, %c0_i32_0 : i32, i32
  }
  func.func @transform_3(%arg0: i32) -> (i32, i32) {
    %c0_i32 = arith.constant 0 : i32
    %c0_i32_0 = arith.constant 0 : i32
    %c0_i32_1 = arith.constant 0 : i32
    return %c0_i32, %c0_i32_0 : i32, i32
  }
  func.func @transform_4(%arg0: i32) -> (i32, i32, i32) {
    %c0_i32 = arith.constant 0 : i32
    %c0_i32_0 = arith.constant 0 : i32
    %c0_i32_1 = arith.constant 0 : i32
    return %arg0, %c0_i32, %c0_i32_0 : i32, i32, i32
  }
  func.func @transform_5(%arg0: i32) -> (i32, i32) {
    %c0_i32 = arith.constant 0 : i32
    %c0_i32_0 = arith.constant 0 : i32
    %c0_i32_1 = arith.constant 0 : i32
    return %c0_i32, %c0_i32_0 : i32, i32
  }
  func.func @transform_6(%arg0: i32) -> (i32, i32) {
    %c0_i32 = arith.constant 0 : i32
    %c0_i32_0 = arith.constant 0 : i32
    %c0_i32_1 = arith.constant 0 : i32
    return %c0_i32, %c0_i32_0 : i32, i32
  }
}

</mosaic_0001>

<sc_bundles>
// kernel: kernel.4.cloned.1.call-start
scs
__scs_entry_jumppad:
0x0: {  	(pc) =	sbr.rel $0x88, $3  }
0x1: {  	(tag) =	ssettag $0x0;
	lr =	simm.s32 $0x1  }
0x2: {  	[smem:$0x3F9F] =	sst lr;
	_ =	strace $0xD0000000  }
0x3: {  	_ = 	snop  }
0x4: {  	_ = 	snop  }
0x5: {  	_ = 	snop  }
0x6: {  	_ = 	snop  }
0x7: {  	_ = 	snop  }
__scs_overlays_trampoline_lowered:
0x8: {  	[smem:$0x3FAE] =	sst s0  }
0x9: {  	[smem:$0x3FAF] =	sst s1  }
0xa: {  	[smem:$0x3FB0] =	sst s2  }
0xb: {  	[smem:$0x3FB1] =	sst s3  }
0xc: {  	[smem:$0x3FB2] =	sst s4  }
0xd: {  	[smem:$0x3FB3] =	sst s5  }
0xe: {  	[smem:$0x3FB4] =	sst s6  }
0xf: {  	[smem:$0x3FB5] =	sst s7  }
0x10: {  	[smem:$0x3FB6] =	sst s8  }
0x11: {  	[smem:$0x3FB7] =	sst s9;
	s0 =	simm.s32 @!p0 $0x0  }
0x12: {  	s1 =	sld [smem:$0x3F9D];
	s0 =	simm.s32 @p0 $0x1  }
0x13: {  	[smem:$0x3FB8] =	sst s0;
	s0 =	simm.s32 @!p1 $0x0  }
0x14: {  	s2 =	sld [smem:$0x3F9C];
	s0 =	simm.s32 @p1 $0x1  }
0x15: {  	[smem:$0x3FB9] =	sst s0;
	s0 =	simm.s32 @!p2 $0x0  }
0x16: {  	s3 =	sld [smem:$0x3FDB];
	s0 =	simm.s32 @p2 $0x1  }
0x17: {  	s4 =	simm.s32 $0x1BF5;
	[smem:$0x3FBB] =	sst s0  }
0x18: {  	s0 =	sld [smem:$0x3F9E];
	_ =	swait.ge [sflag:s4], $0x0  }
0x19: {  	s7 =	sld [smem:$0x3F9F]  }
0x1a: {  	s8 =	sadd.s32 $0xFFFFE003, lr  }
0x1b: {  	s9 =	sadd.s32 $0xFFFFFEF7, lr;
	s5 =	simm.s32 $0xFFFFFFFF;
	p2 =	slt.u32 s8, $0xFFFFF086  }
0x1c: {  	p1 =	slt.u32 s9, $0xF7A;
	s5 =	simm.s32 @!p2 $0x0  }
0x1d: {  	s5 =	simm.s32 @p1 $0x1;
	p0 =	seq.s32 s7, s2  }
0x1e: {  	s7 =	smul.u32 @!p0 $0xF7A, s2;
	p2 =	seq.s32 @!p0 s5, $0x0  }
0x1f: {  	s9 =	smul.u32 $0xF7A, s1;
	s8 =	simm.s32 @!p0 $0x1BF5;
	p2 =	por !p2, p0  }
0x20: {  	[sflag:s8] =	ssyncset.s32 @!p0 $0xFFFFF086;
	s6 =	sadd.s32 @!p0 s3, s7;
	s7 =	simm.s32 @!p0 $0x108  }
0x21: {  	s3 =	sadd.s32 s3, s9;
	s6 =	sadd.s32 @!p0 $0x88, s6;
	s7 =	simm.s32 @p2 $0x1082  }
0x22: {  	[simem:s7], [sflag:s8] =	dma.local @!p0 [hbm:s6], $0xF7A  }
0x23: {  	s9 =	sor.u32 $0xD0000000, s2;
	s6 =	simm.s32 $0x108;
	_ =	swait.ge @!p0 [sflag:s8], $0x0  }
0x24: {  	s3 =	sadd.s32 $0x88, s3;
	s6 =	simm.s32 @!p1 $0x1082;
	[sflag:s4] =	ssyncset.s32 $0xFFFFF086  }
0x25: {  	[simem:s6], [sflag:s4] =	dma.local [hbm:s3], $0xF7A  }
0x26: {  	[smem:$0x3F9F] =	sst s1;
	(tag) =	ssettag s2;
	_ =	strace s9  }
0x27: {  	s1 =	sld [smem:$0x3FAF]  }
0x28: {  	s2 =	sld [smem:$0x3FB0]  }
0x29: {  	s4 =	sld [smem:$0x3FB2]  }
0x2a: {  	p0 =	seq.s32 s5, $0x0;
	s5 =	sld [smem:$0x3FB3]  }
0x2b: {  	s6 =	sld [smem:$0x3FB4]  }
0x2c: {  	s7 =	sld [smem:$0x3FB5]  }
0x2d: {  	s3 =	simm.s32 $0x108;
	s8 =	sld [smem:$0x3FB6]  }
0x2e: {  	s3 =	simm.s32 @!p0 $0x1082;
	s9 =	sld [smem:$0x3FB7]  }
0x2f: {  	lr =	sadd.s32 s0, s3;
	s0 =	sld [smem:$0x3FAE]  }
0x30: {  	s3 =	sld [smem:$0x3FB1]  }
0x31: {  	[smem:$0x3FBA] =	sst s10  }
0x32: {  	s10 =	sld [smem:$0x3FB8];
	_ =	sdelay $0x3  }
0x33: {  	p0 =	seq.s32 s10, $0x1;
	s10 =	sld [smem:$0x3FBA];
	_ =	sdelay $0x3  }
0x34: {  	[smem:$0x3FBA] =	sst s10  }
0x35: {  	s10 =	sld [smem:$0x3FB9];
	_ =	sdelay $0x3  }
0x36: {  	p1 =	seq.s32 s10, $0x1;
	s10 =	sld [smem:$0x3FBA];
	_ =	sdelay $0x3  }
0x37: {  	[smem:$0x3FBA] =	sst s10  }
0x38: {  	s10 =	sld [smem:$0x3FBB]  }
0x39: {  	_ = 	snop;
	(pc) =	sbr.ind lr, $3  }
0x3a: {  	_ = 	snop  }
0x3b: {  	_ = 	snop  }
0x3c: {  	p2 =	seq.s32 s10, $0x1;
	s10 =	sld [smem:$0x3FBA]  }
0x3d: {  	_ =	shalt  }
0x3e: {  	_ =	shalt  }
0x3f: {  	_ =	shalt  }
0x40: {  	_ =	shalt  }
0x41: {  	_ =	shalt  }
0x42: {  	_ =	shalt  }
0x43: {  	_ =	shalt  }
0x44: {  	_ =	shalt  }
0x45: {  	_ =	shalt  }
0x46: {  	_ =	shalt  }
0x47: {  	_ =	shalt  }
0x48: {  	_ =	shalt  }
0x49: {  	_ =	shalt  }
0x4a: {  	_ =	shalt  }
0x4b: {  	_ =	shalt  }
0x4c: {  	_ =	shalt  }
0x4d: {  	_ =	shalt  }
0x4e: {  	_ =	shalt  }
0x4f: {  	_ =	shalt  }
0x50: {  	_ =	shalt  }
0x51: {  	_ =	shalt  }
0x52: {  	_ =	shalt  }
0x53: {  	_ =	shalt  }
0x54: {  	_ =	shalt  }
0x55: {  	_ =	shalt  }
0x56: {  	_ =	shalt  }
0x57: {  	_ =	shalt  }
0x58: {  	_ =	shalt  }
0x59: {  	_ =	shalt  }
0x5a: {  	_ =	shalt  }
0x5b: {  	_ =	shalt  }
0x5c: {  	_ =	shalt  }
0x5d: {  	_ =	shalt  }
0x5e: {  	_ =	shalt  }
0x5f: {  	_ =	shalt  }
0x60: {  	_ =	shalt  }
0x61: {  	_ =	shalt  }
0x62: {  	_ =	shalt  }
0x63: {  	_ =	shalt  }
0x64: {  	_ =	shalt  }
0x65: {  	_ =	shalt  }
0x66: {  	_ =	shalt  }
0x67: {  	_ =	shalt  }
0x68: {  	_ =	shalt  }
0x69: {  	_ =	shalt  }
0x6a: {  	_ =	shalt  }
0x6b: {  	_ =	shalt  }
0x6c: {  	_ =	shalt  }
0x6d: {  	_ =	shalt  }
0x6e: {  	_ =	shalt  }
0x6f: {  	_ =	shalt  }
0x70: {  	_ =	shalt  }
0x71: {  	_ =	shalt  }
0x72: {  	_ =	shalt  }
0x73: {  	_ =	shalt  }
0x74: {  	_ =	shalt  }
0x75: {  	_ =	shalt  }
0x76: {  	_ =	shalt  }
0x77: {  	_ =	shalt  }
0x78: {  	_ =	shalt  }
0x79: {  	_ =	shalt  }
0x7a: {  	_ =	shalt  }
0x7b: {  	_ =	shalt  }
0x7c: {  	_ =	shalt  }
0x7d: {  	_ =	shalt  }
0x7e: {  	_ =	shalt  }
0x7f: {  	_ =	shalt  }
0x80: {  	_ =	shalt  }
0x81: {  	_ =	shalt  }
0x82: {  	_ =	shalt  }
0x83: {  	_ =	shalt  }
0x84: {  	_ =	shalt  }
0x85: {  	_ =	shalt  }
0x86: {  	_ =	shalt  }
0x87: {  	_ =	shalt  }
.Lfunc_end0:
.L_simem_size_0:
called_computation_lowered:
.L_overlay_start_0:
0x88: {  	s2 =	sld [smem:$0x3FD9]  }
0x89: {  	s3 =	sld [smem:$0x3FFE];
	_ =	sdelay $0x1  }
0x8a: {  	s1 =	srdreg.scid  }
0x8b: {  	s0 =	sand.u32 $0x1, s1  }
0x8c: {  	s17 =	sshll.u32 s0, $0xA;
	s2 =	sadd.s32 s3, s2  }
0x8d: {  	s2 =	sadd.s32 s2, s17  }
0x8e: {  	[smem:$0x3FC6] =	sst s2  }
0x8f: {  	_ = 	snop  }
0x90: {  	s2 =	sld [smem:$0x3FC8];
	(tm) =	ssettm $0x1  }
0x91: {  	s18 =	sld [smem:$0x3FFB];
	_ =	sdelay $0x3  }
0x92: {  	_ =	strace s18  }
0x93: {  	s3 =	sld [smem:$0x3FFC];
	_ =	sdelay $0x3  }
0x94: {  	_ =	strace s3  }
0x95: {  	s3 =	sld [smem:$0x3FFD];
	_ =	sdelay $0x3  }
0x96: {  	_ =	strace s3  }
0x97: {  	_ =	strace $0x8FFFFFFF  }
0x98: {  	s19 =	sld [smem:$0x3FDB];
	_ =	sdelay $0x1  }
0x99: {  	s4 =	simm.s32 $_scs_section_size  }
0x9a: {  	s5 =	simm.s32 $_size__tile_overlayer_lowered;
	s6 =	simm.s32 $_tile_overlayer_lowered  }
0x9b: {  	s22 =	simm.s32 $0x1BFF;
	s21 =	sshll.u32 s6, $0x1;
	s3 =	sadd.s32 s4, s19  }
0x9c: {  	s7 =	simm.s32 $0x0;
	s20 =	sshll.u32 s5, $0x1;
	s5 =	sadd.s32 s21, s3  }
0x9d: {  	[timem:s7], [sflag:s22] =	dma.local [hbm:s5], s20  }
0x9e: {  	_ =	swait.ge [sflag:s22], s20  }
0x9f: {  	s4 =	ssub.s32 $0x0, s20;
	[sflag:s22] =	ssyncset.done $0x0  }
0xa0: {  	[sflag:s22] =	ssyncadd.s32 s4;
	_ =	sdelay $0x1  }
0xa1: {  	s23 =	simm.s32 $0x1B8B  }
0xa2: {  	_ =	swait.ge [sflag:s23], $0x1  }
0xa3: {  	[sflag:s23] =	ssyncset.done $0x0  }
0xa4: {  	s25 =	simm.s32 $0x1B8E;
	s24 =	sld [smem:$0x3FFE];
	[sflag:s23] =	ssyncadd.s32 $0xFFFFFFFF  }
0xa5: {  	s26 =	simm.s32 $execute0_lowered;
	[smem:$0x3FD2] =	sst s25  }
0xa6: {  	s5 =	sshll.u32 s26, $0x1;
	_ =	strace $0x80000046;
	[dreg:$0x1] =	wrdreg $0xFFFFFFFF  }
0xa7: {  	s28 =	simm.s32 $_size_execute0_lowered;
	s3 =	sadd.s32 s3, s5;
	[dreg:$0x0] =	wrdreg $0x0  }
0xa8: {  	s5 =	sshll.u32 s28, $0x1;
	[dreg:$0x2] =	wrdreg s3  }
0xa9: {  	[dreg:$0x3] =	wrdreg s5  }
0xaa: {  	[dreg:$0x4] =	wrdreg $0xC0  }
0xab: {  	_ =	task [dreg:s7], $0x5FFFF  }
0xac: {  	[dreg:$0x1] =	wrdreg $0xFFFFFFFF  }
0xad: {  	[dreg:$0x0] =	wrdreg $0x60  }
0xae: {  	[dreg:$0x2] =	wrdreg s2  }
0xaf: {  	[dreg:$0x3] =	wrdreg s24  }
0xb0: {  	[dreg:$0x4] =	wrdreg $0x9  }
0xb1: {  	_ =	task.clear_ibuf [dreg:s7], $0x5FFFF;
	_ =	strace $0x90000046  }
0xb2: {  	s29 =	simm.s32 $0x9;
	_ =	strace $0x80000048  }
0xb3: {  	_ =	swait.ge [sflag:s29], $0x1  }
0xb4: {  	[sflag:s29] =	ssyncadd.s32 $0xFFFFFFFF  }
0xb5: {  	_ =	strace $0x90000048  }
0xb6: {  	_ =	sfence  }
0xb7: {  	s30 =	sld [smem:$0x0];
	_ =	sdelay $0x2  }
0xb8: {  	s31 =	sshll.u32 s1, $0xD;
	s1 =	sshrl.u32 s1, $0x2  }
0xb9: {  	s3 =	sand.u32 $0x4000, s31;
	s1 =	sadd.s32 s1, s30  }
0xba: {  	s0 =	sor.u32 s3, s0;
	s1 =	sshll.u32 s1, $0x11  }
0xbb: {  	s0 =	sor.u32 s1, s0  }
0xbc: {  	s0 =	sadd.s32 $0x8F2B, s0  }
0xbd: {  	[sflag:s0] =	ssyncadd.remote.s32 $0x1  }
0xbe: {  	_ =	sfence.sel $0xFFFF  }
0xbf: {  	[dreg:$0x0] =	wrdreg $0xFFFFFFFF;
	(pc) =	sbr.abs _section_cstart, $3  }
0xc0: {  	[dreg:$0x1] =	wrdreg $0xFFFFFFFF  }
0xc1: {  	_ =	task.clear_ibuf [dreg:s7], $0x2FFFF;
	_ =	strace $0x9FFFFFFF  }
0xc2: {  	(tm) =	ssettm $0x7FFFFFFF  }
0xc3: {  	_ =	shalt  }
tec
execute0_lowered:
.L_overlay_start_1:
0x0: {  	(tag) =	ssettag $0x1  }
0x1: {  	s1 =	srdreg.scid;
	s2 =	rddreg [dreg:$0x0]  }
0x2: {  	s0 =	stileid.u32;
	s4 =	rddreg [dreg:$0x1];
	s19 =	simm.s32 $0x900  }
0x3: {  	s20 =	simm.s32 $0x1100;
	s21 =	simm.s32 $0x1900;
	s23 =	simm.s32 $0x2100  }
0x4: {  	s24 =	simm.s32 $0x2900;
	s25 =	simm.s32 $0x3100;
	s26 =	simm.s32 $0x3900  }
0x5: {  	s8 =	simm.s32 $0x4900;
	s9 =	simm.s32 $0x5100;
	s10 =	simm.s32 $0x5900  }
0x6: {  	s11 =	simm.s32 $0x6100;
	s12 =	simm.s32 $0x6900;
	s13 =	simm.s32 $0x7100  }
0x7: {  	s14 =	simm.s32 $0x7900;
	s1 =	sand.u32 $0x1, s1;
	s3 =	sshll.u32 s0, $0x1  }
0x8: {  	s15 =	simm.s32 $0x8100;
	s5 =	sor.u32 s1, s3;
	s3 =	simm.s32 $0x0  }
0x9: {  	s16 =	simm.s32 $0x8900;
	s17 =	simm.s32 $0x9100;
	[smem:$0x7FF] =	sst s3  }
0xa: {  	s28 =	simm.s32 $0xE100;
	_ =	strace $0x80000047;
	[dreg:$0x5] =	wrdreg s19  }
0xb: {  	s29 =	simm.s32 $0xE900;
	s30 =	simm.s32 $0xF100;
	[dreg:$0x6] =	wrdreg s20  }
0xc: {  	s31 =	simm.s32 $0xF900;
	s1 =	ssub.s32 $0x2, s1;
	[dreg:$0x7] =	wrdreg s21  }
0xd: {  	s6 =	sshll.u32 s5, $0x5;
	s5 =	sshll.u32 s5, $0xD;
	[dreg:$0x8] =	wrdreg s23  }
0xe: {  	s22 =	sshrl.u32 s1, $0x1;
	s6 =	sadd.s32 s6, s4;
	[dreg:$0x9] =	wrdreg s24  }
0xf: {  	s4 =	sadd.s32 s5, s4;
	s1 =	ssub.s32 s1, s22;
	[dreg:$0xa] =	wrdreg s25  }
0x10: {  	s5 =	simm.s32 $0x2;
	[dreg:$0xb] =	wrdreg s26;
	s19 =	simm.s32 $0xA100  }
0x11: {  	s20 =	simm.s32 $0xA900;
	s21 =	simm.s32 $0xB100;
	s22 =	simm.s32 $0xB900  }
0x12: {  	s23 =	simm.s32 $0xC100;
	s24 =	simm.s32 $0xC900;
	s18 =	sadd.s32 $0x20000, s6  }
0x13: {  	v2 =	vlaneseq.u32;
	s25 =	simm.s32 $0xD100;
	s4 =	sadd.s32 $0x20400, s4;
	[dreg:$0x3] =	wrdreg s18  }
0x14: {  	vm0 =	vmmov $0xffff;
	v1 =	vshrl.u32 v2, $0x3;
	s26 =	simm.s32 $0xD900;
	s6 =	simm.s32 $0x100;
	[dreg:$0x4] =	wrdreg s4  }
0x15: {  	v0 =	vand.u32 $0x7, v2;
	v2 =	vor.u32 $0x8, v2;
	v1 =	vmul.u32 $0x8, v1;
	s4 =	smax.u32 s1, $0x1;
	s18 =	simm.s32 $0x9900;
	s1 =	simm.s32 $0x1  }
.LBB2_1:
0x16: {  	s0 =	rddreg [dreg:$0x3]  }
0x17: {  	[tilespmem:s3], [sflag:$0x2] =	stream.linear.gather [hbm4b:s0+s3], $0x100, $0x38;
	[tilespmem:$0x10100] =	vst v63  }
0x18: {  	_ =	swait.ge [sflag:s5], $0x100  }
0x19: {  	[sflag:s5] =	ssyncset.done $0x0  }
0x1a: {  	[sflag:s5] =	ssyncadd.s32 $0xFFFFFF00  }
0x1b: {  	v3 =	vld [tilespmem:$0x0];
	_ =	sdelay $0x4  }
0x1c: {  	v4 =	vshll.u32 v3, $0x1  }
0x1d: {  	v3 =	vand.u32 $0x7, v3;
	v4 =	vand.u32 $0xFFFFFFF0, v4  }
0x1e: {  	v3 =	vor.u32 v3, v4  }
0x1f: {  	v4 =	vperm.xlane v3, v0;
	_ =	sdelay $0x1  }
0x20: {  	v3 =	vperm.xlane v3, v2;
	v4 =	vadd.s32 v1, v4;
	_ =	sdelay $0x1  }
0x21: {  	v3 =	vadd.s32 v1, v3;
	_ =	sdelay $0x2  }
0x22: {  	[tilespmem:s6], [sflag:$0x1] =	stream.indirect_vreg.gather [hbm4b:s2+s3], $0x80, v4, vm0, $0xb8;
	[tilespmem:$0x10100] =	vst v63  }
0x23: {  	s7 =	rddreg [dreg:$0x5]  }
0x24: {  	[tilespmem:s7], [sflag:$0x1] =	stream.indirect_vreg.gather [hbm4b:s2+s3], $0x80, v3, vm0, $0xb8;
	[tilespmem:$0x10100] =	vst v63  }
0x25: {  	v3 =	vld [tilespmem:$0x10];
	_ =	sdelay $0x4  }
0x26: {  	v49 =	vshll.u32 v3, $0x1  }
0x27: {  	v3 =	vand.u32 $0x7, v3;
	v4 =	vand.u32 $0xFFFFFFF0, v49  }
0x28: {  	v3 =	vor.u32 v3, v4  }
0x29: {  	v4 =	vperm.xlane v3, v0;
	_ =	sdelay $0x1  }
0x2a: {  	v3 =	vperm.xlane v3, v2;
	v4 =	vadd.s32 v1, v4;
	_ =	sdelay $0x1  }
0x2b: {  	v3 =	vadd.s32 v1, v3;
	_ =	sdelay $0x1  }
0x2c: {  	s0 =	rddreg [dreg:$0x6]  }
0x2d: {  	[tilespmem:s0], [sflag:$0x1] =	stream.indirect_vreg.gather [hbm4b:s2+s3], $0x80, v4, vm0, $0xb8;
	[tilespmem:$0x10100] =	vst v63  }
0x2e: {  	s7 =	rddreg [dreg:$0x7]  }
0x2f: {  	[tilespmem:s7], [sflag:$0x1] =	stream.indirect_vreg.gather [hbm4b:s2+s3], $0x80, v3, vm0, $0xb8;
	[tilespmem:$0x10100] =	vst v63  }
0x30: {  	v3 =	vld [tilespmem:$0x20];
	_ =	sdelay $0x4  }
0x31: {  	v50 =	vshll.u32 v3, $0x1  }
0x32: {  	v3 =	vand.u32 $0x7, v3;
	v4 =	vand.u32 $0xFFFFFFF0, v50  }
0x33: {  	v3 =	vor.u32 v3, v4  }
0x34: {  	v4 =	vperm.xlane v3, v0;
	_ =	sdelay $0x1  }
0x35: {  	v3 =	vperm.xlane v3, v2;
	v4 =	vadd.s32 v1, v4;
	_ =	sdelay $0x1  }
0x36: {  	v3 =	vadd.s32 v1, v3;
	_ =	sdelay $0x1  }
0x37: {  	s0 =	rddreg [dreg:$0x8]  }
0x38: {  	[tilespmem:s0], [sflag:$0x1] =	stream.indirect_vreg.gather [hbm4b:s2+s3], $0x80, v4, vm0, $0xb8;
	[tilespmem:$0x10100] =	vst v63  }
0x39: {  	s7 =	rddreg [dreg:$0x9]  }
0x3a: {  	[tilespmem:s7], [sflag:$0x1] =	stream.indirect_vreg.gather [hbm4b:s2+s3], $0x80, v3, vm0, $0xb8;
	[tilespmem:$0x10100] =	vst v63  }
0x3b: {  	v3 =	vld [tilespmem:$0x30];
	_ =	sdelay $0x4  }
0x3c: {  	v51 =	vshll.u32 v3, $0x1  }
0x3d: {  	v3 =	vand.u32 $0x7, v3;
	v4 =	vand.u32 $0xFFFFFFF0, v51  }
0x3e: {  	v3 =	vor.u32 v3, v4  }
0x3f: {  	v4 =	vperm.xlane v3, v0;
	_ =	sdelay $0x1  }
0x40: {  	v3 =	vperm.xlane v3, v2;
	v4 =	vadd.s32 v1, v4;
	_ =	sdelay $0x1  }
0x41: {  	v3 =	vadd.s32 v1, v3;
	_ =	sdelay $0x1  }
0x42: {  	s0 =	rddreg [dreg:$0xa]  }
0x43: {  	[tilespmem:s0], [sflag:$0x1] =	stream.indirect_vreg.gather [hbm4b:s2+s3], $0x80, v4, vm0, $0xb8;
	[tilespmem:$0x10100] =	vst v63  }
0x44: {  	s7 =	rddreg [dreg:$0xb]  }
0x45: {  	[tilespmem:s7], [sflag:$0x1] =	stream.indirect_vreg.gather [hbm4b:s2+s3], $0x80, v3, vm0, $0xb8;
	[tilespmem:$0x10100] =	vst v63  }
0x46: {  	v3 =	vld [tilespmem:$0x40];
	_ =	sdelay $0x4  }
0x47: {  	v52 =	vshll.u32 v3, $0x1  }
0x48: {  	v3 =	vand.u32 $0x7, v3;
	v4 =	vand.u32 $0xFFFFFFF0, v52  }
0x49: {  	v3 =	vor.u32 v3, v4  }
0x4a: {  	v4 =	vperm.xlane v3, v0;
	_ =	sdelay $0x1  }
0x4b: {  	v3 =	vperm.xlane v3, v2;
	v4 =	vadd.s32 v1, v4;
	_ =	sdelay $0x1  }
0x4c: {  	v3 =	vadd.s32 v1, v3;
	_ =	sdelay $0x1  }
0x4d: {  	s7 =	simm.s32 $0x4100  }
0x4e: {  	[tilespmem:s7], [sflag:$0x1] =	stream.indirect_vreg.gather [hbm4b:s2+s3], $0x80, v4, vm0, $0xb8;
	[tilespmem:$0x10100] =	vst v63  }
0x4f: {  	_ = 	snop  }
0x50: {  	[tilespmem:s8], [sflag:$0x1] =	stream.indirect_vreg.gather [hbm4b:s2+s3], $0x80, v3, vm0, $0xb8;
	[tilespmem:$0x10100] =	vst v63  }
0x51: {  	v3 =	vld [tilespmem:$0x50];
	_ =	sdelay $0x4  }
0x52: {  	v53 =	vshll.u32 v3, $0x1  }
0x53: {  	v3 =	vand.u32 $0x7, v3;
	v4 =	vand.u32 $0xFFFFFFF0, v53  }
0x54: {  	v3 =	vor.u32 v3, v4  }
0x55: {  	v4 =	vperm.xlane v3, v0;
	_ =	sdelay $0x1  }
0x56: {  	v3 =	vperm.xlane v3, v2;
	v4 =	vadd.s32 v1, v4;
	_ =	sdelay $0x1  }
0x57: {  	v3 =	vadd.s32 v1, v3;
	_ =	sdelay $0x2  }
0x58: {  	[tilespmem:s9], [sflag:$0x1] =	stream.indirect_vreg.gather [hbm4b:s2+s3], $0x80, v4, vm0, $0xb8;
	[tilespmem:$0x10100] =	vst v63  }
0x59: {  	_ = 	snop  }
0x5a: {  	[tilespmem:s10], [sflag:$0x1] =	stream.indirect_vreg.gather [hbm4b:s2+s3], $0x80, v3, vm0, $0xb8;
	[tilespmem:$0x10100] =	vst v63  }
0x5b: {  	v3 =	vld [tilespmem:$0x60];
	_ =	sdelay $0x4  }
0x5c: {  	v54 =	vshll.u32 v3, $0x1  }
0x5d: {  	v3 =	vand.u32 $0x7, v3;
	v4 =	vand.u32 $0xFFFFFFF0, v54  }
0x5e: {  	v3 =	vor.u32 v3, v4  }
0x5f: {  	v4 =	vperm.xlane v3, v0;
	_ =	sdelay $0x1  }
0x60: {  	v3 =	vperm.xlane v3, v2;
	v4 =	vadd.s32 v1, v4;
	_ =	sdelay $0x1  }
0x61: {  	v3 =	vadd.s32 v1, v3;
	_ =	sdelay $0x2  }
0x62: {  	[tilespmem:s11], [sflag:$0x1] =	stream.indirect_vreg.gather [hbm4b:s2+s3], $0x80, v4, vm0, $0xb8;
	[tilespmem:$0x10100] =	vst v63  }
0x63: {  	_ = 	snop  }
0x64: {  	[tilespmem:s12], [sflag:$0x1] =	stream.indirect_vreg.gather [hbm4b:s2+s3], $0x80, v3, vm0, $0xb8;
	[tilespmem:$0x10100] =	vst v63  }
0x65: {  	v3 =	vld [tilespmem:$0x70];
	_ =	sdelay $0x4  }
0x66: {  	v55 =	vshll.u32 v3, $0x1  }
0x67: {  	v3 =	vand.u32 $0x7, v3;
	v4 =	vand.u32 $0xFFFFFFF0, v55  }
0x68: {  	v3 =	vor.u32 v3, v4  }
0x69: {  	v4 =	vperm.xlane v3, v0;
	_ =	sdelay $0x1  }
0x6a: {  	v3 =	vperm.xlane v3, v2;
	v4 =	vadd.s32 v1, v4;
	_ =	sdelay $0x1  }
0x6b: {  	v3 =	vadd.s32 v1, v3;
	_ =	sdelay $0x2  }
0x6c: {  	[tilespmem:s13], [sflag:$0x1] =	stream.indirect_vreg.gather [hbm4b:s2+s3], $0x80, v4, vm0, $0xb8;
	[tilespmem:$0x10100] =	vst v63  }
0x6d: {  	_ = 	snop  }
0x6e: {  	[tilespmem:s14], [sflag:$0x1] =	stream.indirect_vreg.gather [hbm4b:s2+s3], $0x80, v3, vm0, $0xb8;
	[tilespmem:$0x10100] =	vst v63  }
0x6f: {  	v3 =	vld [tilespmem:$0x80];
	_ =	sdelay $0x4  }
0x70: {  	v56 =	vshll.u32 v3, $0x1  }
0x71: {  	v3 =	vand.u32 $0x7, v3;
	v4 =	vand.u32 $0xFFFFFFF0, v56  }
0x72: {  	v3 =	vor.u32 v3, v4  }
0x73: {  	v4 =	vperm.xlane v3, v0;
	_ =	sdelay $0x1  }
0x74: {  	v3 =	vperm.xlane v3, v2;
	v4 =	vadd.s32 v1, v4;
	_ =	sdelay $0x1  }
0x75: {  	v3 =	vadd.s32 v1, v3;
	_ =	sdelay $0x2  }
0x76: {  	[tilespmem:s15], [sflag:$0x1] =	stream.indirect_vreg.gather [hbm4b:s2+s3], $0x80, v4, vm0, $0xb8;
	[tilespmem:$0x10100] =	vst v63  }
0x77: {  	_ = 	snop  }
0x78: {  	[tilespmem:s16], [sflag:$0x1] =	stream.indirect_vreg.gather [hbm4b:s2+s3], $0x80, v3, vm0, $0xb8;
	[tilespmem:$0x10100] =	vst v63  }
0x79: {  	v3 =	vld [tilespmem:$0x90];
	_ =	sdelay $0x4  }
0x7a: {  	v57 =	vshll.u32 v3, $0x1  }
0x7b: {  	v3 =	vand.u32 $0x7, v3;
	v4 =	vand.u32 $0xFFFFFFF0, v57  }
0x7c: {  	v3 =	vor.u32 v3, v4  }
0x7d: {  	v4 =	vperm.xlane v3, v0;
	_ =	sdelay $0x1  }
0x7e: {  	v3 =	vperm.xlane v3, v2;
	v4 =	vadd.s32 v1, v4;
	_ =	sdelay $0x1  }
0x7f: {  	v3 =	vadd.s32 v1, v3;
	_ =	sdelay $0x2  }
0x80: {  	[tilespmem:s17], [sflag:$0x1] =	stream.indirect_vreg.gather [hbm4b:s2+s3], $0x80, v4, vm0, $0xb8;
	[tilespmem:$0x10100] =	vst v63  }
0x81: {  	_ = 	snop  }
0x82: {  	[tilespmem:s18], [sflag:$0x1] =	stream.indirect_vreg.gather [hbm4b:s2+s3], $0x80, v3, vm0, $0xb8;
	[tilespmem:$0x10100] =	vst v63  }
0x83: {  	v3 =	vld [tilespmem:$0xA0];
	_ =	sdelay $0x4  }
0x84: {  	v58 =	vshll.u32 v3, $0x1  }
0x85: {  	v3 =	vand.u32 $0x7, v3;
	v4 =	vand.u32 $0xFFFFFFF0, v58  }
0x86: {  	v3 =	vor.u32 v3, v4  }
0x87: {  	v4 =	vperm.xlane v3, v0;
	_ =	sdelay $0x1  }
0x88: {  	v3 =	vperm.xlane v3, v2;
	v4 =	vadd.s32 v1, v4;
	_ =	sdelay $0x1  }
0x89: {  	v3 =	vadd.s32 v1, v3;
	_ =	sdelay $0x2  }
0x8a: {  	[tilespmem:s19], [sflag:$0x1] =	stream.indirect_vreg.gather [hbm4b:s2+s3], $0x80, v4, vm0, $0xb8;
	[tilespmem:$0x10100] =	vst v63  }
0x8b: {  	_ = 	snop  }
0x8c: {  	[tilespmem:s20], [sflag:$0x1] =	stream.indirect_vreg.gather [hbm4b:s2+s3], $0x80, v3, vm0, $0xb8;
	[tilespmem:$0x10100] =	vst v63  }
0x8d: {  	v3 =	vld [tilespmem:$0xB0];
	_ =	sdelay $0x4  }
0x8e: {  	v59 =	vshll.u32 v3, $0x1  }
0x8f: {  	v3 =	vand.u32 $0x7, v3;
	v4 =	vand.u32 $0xFFFFFFF0, v59  }
0x90: {  	v3 =	vor.u32 v3, v4  }
0x91: {  	v4 =	vperm.xlane v3, v0;
	_ =	sdelay $0x1  }
0x92: {  	v3 =	vperm.xlane v3, v2;
	v4 =	vadd.s32 v1, v4;
	_ =	sdelay $0x1  }
0x93: {  	v3 =	vadd.s32 v1, v3;
	_ =	sdelay $0x2  }
0x94: {  	[tilespmem:s21], [sflag:$0x1] =	stream.indirect_vreg.gather [hbm4b:s2+s3], $0x80, v4, vm0, $0xb8;
	[tilespmem:$0x10100] =	vst v63  }
0x95: {  	_ = 	snop  }
0x96: {  	[tilespmem:s22], [sflag:$0x1] =	stream.indirect_vreg.gather [hbm4b:s2+s3], $0x80, v3, vm0, $0xb8;
	[tilespmem:$0x10100] =	vst v63  }
0x97: {  	v3 =	vld [tilespmem:$0xC0];
	_ =	sdelay $0x4  }
0x98: {  	v60 =	vshll.u32 v3, $0x1  }
0x99: {  	v3 =	vand.u32 $0x7, v3;
	v4 =	vand.u32 $0xFFFFFFF0, v60  }
0x9a: {  	v3 =	vor.u32 v3, v4  }
0x9b: {  	v4 =	vperm.xlane v3, v0;
	_ =	sdelay $0x1  }
0x9c: {  	v3 =	vperm.xlane v3, v2;
	v4 =	vadd.s32 v1, v4;
	_ =	sdelay $0x1  }
0x9d: {  	v3 =	vadd.s32 v1, v3;
	_ =	sdelay $0x2  }
0x9e: {  	[tilespmem:s23], [sflag:$0x1] =	stream.indirect_vreg.gather [hbm4b:s2+s3], $0x80, v4, vm0, $0xb8;
	[tilespmem:$0x10100] =	vst v63  }
0x9f: {  	_ = 	snop  }
0xa0: {  	[tilespmem:s24], [sflag:$0x1] =	stream.indirect_vreg.gather [hbm4b:s2+s3], $0x80, v3, vm0, $0xb8;
	[tilespmem:$0x10100] =	vst v63  }
0xa1: {  	v3 =	vld [tilespmem:$0xD0];
	_ =	sdelay $0x4  }
0xa2: {  	v61 =	vshll.u32 v3, $0x1  }
0xa3: {  	v3 =	vand.u32 $0x7, v3;
	v4 =	vand.u32 $0xFFFFFFF0, v61  }
0xa4: {  	v3 =	vor.u32 v3, v4  }
0xa5: {  	v4 =	vperm.xlane v3, v0;
	_ =	sdelay $0x1  }
0xa6: {  	v3 =	vperm.xlane v3, v2;
	v4 =	vadd.s32 v1, v4;
	_ =	sdelay $0x1  }
0xa7: {  	v3 =	vadd.s32 v1, v3;
	_ =	sdelay $0x2  }
0xa8: {  	[tilespmem:s25], [sflag:$0x1] =	stream.indirect_vreg.gather [hbm4b:s2+s3], $0x80, v4, vm0, $0xb8;
	[tilespmem:$0x10100] =	vst v63  }
0xa9: {  	_ = 	snop  }
0xaa: {  	[tilespmem:s26], [sflag:$0x1] =	stream.indirect_vreg.gather [hbm4b:s2+s3], $0x80, v3, vm0, $0xb8;
	[tilespmem:$0x10100] =	vst v63  }
0xab: {  	v3 =	vld [tilespmem:$0xE0];
	_ =	sdelay $0x4  }
0xac: {  	v62 =	vshll.u32 v3, $0x1  }
0xad: {  	v3 =	vand.u32 $0x7, v3;
	v4 =	vand.u32 $0xFFFFFFF0, v62  }
0xae: {  	v3 =	vor.u32 v3, v4  }
0xaf: {  	v4 =	vperm.xlane v3, v0;
	_ =	sdelay $0x1  }
0xb0: {  	v3 =	vperm.xlane v3, v2;
	v4 =	vadd.s32 v1, v4;
	_ =	sdelay $0x1  }
0xb1: {  	v3 =	vadd.s32 v1, v3;
	_ =	sdelay $0x2  }
0xb2: {  	[tilespmem:s28], [sflag:$0x1] =	stream.indirect_vreg.gather [hbm4b:s2+s3], $0x80, v4, vm0, $0xb8;
	[tilespmem:$0x10100] =	vst v63  }
0xb3: {  	_ = 	snop  }
0xb4: {  	[tilespmem:s29], [sflag:$0x1] =	stream.indirect_vreg.gather [hbm4b:s2+s3], $0x80, v3, vm0, $0xb8;
	[tilespmem:$0x10100] =	vst v63  }
0xb5: {  	v3 =	vld [tilespmem:$0xF0];
	_ =	sdelay $0x4  }
0xb6: {  	v63 =	vshll.u32 v3, $0x1  }
0xb7: {  	v3 =	vand.u32 $0x7, v3;
	v4 =	vand.u32 $0xFFFFFFF0, v63  }
0xb8: {  	v3 =	vor.u32 v3, v4  }
0xb9: {  	v4 =	vperm.xlane v3, v0;
	_ =	sdelay $0x1  }
0xba: {  	v3 =	vperm.xlane v3, v2;
	v4 =	vadd.s32 v1, v4;
	_ =	sdelay $0x1  }
0xbb: {  	v3 =	vadd.s32 v1, v3;
	_ =	sdelay $0x2  }
0xbc: {  	[tilespmem:s30], [sflag:$0x1] =	stream.indirect_vreg.gather [hbm4b:s2+s3], $0x80, v4, vm0, $0xb8;
	[tilespmem:$0x10100] =	vst v63  }
0xbd: {  	_ = 	snop  }
0xbe: {  	[tilespmem:s31], [sflag:$0x1] =	stream.indirect_vreg.gather [hbm4b:s2+s3], $0x80, v3, vm0, $0xb8;
	[tilespmem:$0x10100] =	vst v63  }
0xbf: {  	_ =	swait.ge [sflag:s1], $0x8000  }
0xc0: {  	[sflag:s1] =	ssyncset.done $0x0  }
0xc1: {  	[sflag:s1] =	ssyncadd.s32 $0xFFFF8000  }
0xc2: {  	_ =	swait.ge [sflag:s1], $0x8000  }
0xc3: {  	p0 =	sne.s32 s4, $0x1;
	[sflag:s1] =	ssyncset.done $0x0  }
.Ltmp0:
0xc4: {  	s7 =	rddreg [dreg:$0x4];
	[sflag:s1] =	ssyncadd.s32 $0xFFFF8000;
	(pc) =	sbr.rel @p0 .LBB2_1-.Ltmp0, $4  }
0xc5: {  	[hbm4b:s7+s3] =	stream.linear.scatter [tilespmem:s6], [sflag:$0x2], $0x10000, $0x38;
	[tilespmem:$0x10100] =	vst v63  }
0xc6: {  	_ =	swait.ge [sflag:s5], $0x10000  }
0xc7: {  	[sflag:s5] =	ssyncset.done $0x0  }
0xc8: {  	s4 =	sadd.s32 $0xFFFFFFFF, s4;
	[sflag:s5] =	ssyncadd.s32 $0xFFFF0000  }
0xc9: {  	_ =	sfence.sel $0x180000  }
0xca: {  	[bflag:$0x0] =	sbarrier.arrive $0xFFFF  }
0xcb: {  	_ =	strace $0x90000047  }
0xcc: {  	s0 =	stileid.u32;
	[bflag:$0x2] =	sbarrier.arrive $0xFFFF  }
0xcd: {  	p0 =	sne.s32 s0, $0x0;
	s0 =	rddreg [dreg:$0x2]  }
0xce: {  	s0 =	sadd.s32 @!p0 $0x100000, s0  }
0xcf: {  	[sflag:s0] =	ssyncadd.tile.s32 @!p0 $0x1;
	_ =	shalt  }
.Lfunc_end2:
_tile_overlayer_lowered:
.L_overlay_start_2:
0xd0: {  	(tag) =	ssettag $0x2  }
0xd1: {  	s0 =	rddreg [dreg:$0x0];
	s2 =	stileid.u32  }
0xd2: {  	s1 =	rddreg [dreg:$0x1];
	p0 =	sne.s32 s2, $0x0  }
0xd3: {  	s3 =	rddreg [dreg:$0x2];
	[bflag:$0x3] =	sbarrier.arrive $0xFFFF;
	s2 =	simm.s32 @!p0 $0x1C02  }
0xd4: {  	[timem:s3], [sflag:s2] =	dma.local @!p0 [hbm:s0], s1  }
0xd5: {  	s0 =	simm.s32 @!p0 $0x2  }
0xd6: {  	_ =	swait.ge @!p0 [sflag:s0], s1  }
0xd7: {  	s1 =	ssub.s32 @!p0 $0x0, s1;
	[sflag:s0] =	ssyncset.done @!p0 $0x0  }
0xd8: {  	[sflag:s0] =	ssyncadd.s32 @!p0 s1  }
0xd9: {  	[bflag:$0x3] =	sbarrier.arrive $0xFFFF  }
0xda: {  	_ =	shalt  }

</sc_bundles>
